<compile_context>
chip_gen: v7x
topology: tpu7x:2x2x1
jax: 0.10.2.dev20260603
libtpu: 0.0.44.dev20260713+nightly
codegen_flags: <defaults>
</compile_context>

<pallas_src>
import jax
import jax.numpy as jnp
from jax import lax
from jax.experimental import pallas as pl
from jax.experimental.pallas import tpu as pltpu
from jax.experimental.pallas import tpu_sc as plsc

_N = 10000
_H = 128
_NC = 2
_NS = 16
_NW = _NC * _NS
_CHUNK = 128
_NACC = 10112
_ZR = _NACC // _NS



def _sc_segment_sum(k0, k1, nch, dst_off, h_hbm, edges_hbm, out0_hbm, out1_hbm,
                    srcb0, dstb0, srcb1, dstb1, rows0, rows1,
                    acc, semi0, semi1, semg0, semg1):
    c = lax.axis_index("c")
    s = lax.axis_index("s")
    is0 = c == 0
    my_k = jnp.where(is0, k0, k1)
    base = jnp.where(is0, s * k0, _NS * k0 + s * k1)
    my_k = jnp.minimum(my_k, jnp.maximum(nch - base, 0))

    def zbody(r, carry):
        for q in range(8):
            rows0[r, pl.ds(q * 16, 16)] = jnp.zeros((16,), jnp.float32)
        return carry

    lax.fori_loop(0, _CHUNK, zbody, 0)
    for t in range(4):
        pltpu.sync_copy(rows0, acc.at[pl.ds(s * _ZR + t * _CHUNK, _CHUNK)])
    pltpu.sync_copy(rows0.at[pl.ds(0, _ZR - 4 * _CHUNK)],
                    acc.at[pl.ds(s * _ZR + 4 * _CHUNK, _ZR - 4 * _CHUNK)])
    plsc.subcore_barrier()

    def sslice(g):
        return pl.ds(g * _CHUNK, _CHUNK)

    def dslice(g):
        return pl.ds(dst_off + g * _CHUNK, _CHUNK)

    @pl.when(my_k > 0)
    def _():
        pltpu.async_copy(edges_hbm.at[sslice(base)], srcb0, semi0)
        pltpu.async_copy(edges_hbm.at[dslice(base)], dstb0, semi0)
        pltpu.async_copy(edges_hbm.at[sslice(base + 1)], srcb1, semi1)
        pltpu.async_copy(edges_hbm.at[dslice(base + 1)], dstb1, semi1)

    def body(i, carry):
        a = 2 * i
        pltpu.make_async_copy(edges_hbm.at[sslice(base + a)], srcb0, semi0).wait()
        pltpu.make_async_copy(edges_hbm.at[dslice(base + a)], dstb0, semi0).wait()
        g0 = pltpu.async_copy(h_hbm.at[srcb0], rows0, semg0)
        pltpu.make_async_copy(edges_hbm.at[sslice(base + a + 1)], srcb1, semi1).wait()
        pltpu.make_async_copy(edges_hbm.at[dslice(base + a + 1)], dstb1, semi1).wait()
        g1 = pltpu.async_copy(h_hbm.at[srcb1], rows1, semg1)
        g0.wait()
        pltpu.sync_copy(rows0, acc.at[dstb0], add=True)

        @pl.when(a + 2 < my_k)
        def _():
            pltpu.async_copy(edges_hbm.at[sslice(base + a + 2)], srcb0, semi0)
            pltpu.async_copy(edges_hbm.at[dslice(base + a + 2)], dstb0, semi0)

        g1.wait()
        pltpu.sync_copy(rows1, acc.at[dstb1], add=True)

        @pl.when(a + 3 < my_k)
        def _():
            pltpu.async_copy(edges_hbm.at[sslice(base + a + 3)], srcb1, semi1)
            pltpu.async_copy(edges_hbm.at[dslice(base + a + 3)], dstb1, semi1)

        return carry

    lax.fori_loop(0, my_k // 2, body, 0)
    plsc.subcore_barrier()

    rpw = (_N // _NS) & ~7
    tail = _N - _NS * rpw

    @pl.when(is0)
    def _():
        pltpu.sync_copy(acc.at[pl.ds(s * rpw, rpw)],
                        out0_hbm.at[pl.ds(s * rpw, rpw)])

        @pl.when(s == 0)
        def _():
            pltpu.sync_copy(acc.at[pl.ds(_NS * rpw, tail)],
                            out0_hbm.at[pl.ds(_NS * rpw, tail)])

    @pl.when(jnp.logical_not(is0))
    def _():
        pltpu.sync_copy(acc.at[pl.ds(s * rpw, rpw)],
                        out1_hbm.at[pl.ds(s * rpw, rpw)])

        @pl.when(s == 0)
        def _():
            pltpu.sync_copy(acc.at[pl.ds(_NS * rpw, tail)],
                            out1_hbm.at[pl.ds(_NS * rpw, tail)])


def _make_seg(k0, k1, nch, dst_off):
    import functools
    mesh = plsc.VectorSubcoreMesh(core_axis_name="c", subcore_axis_name="s")
    return pl.kernel(
        functools.partial(_sc_segment_sum, k0, k1, nch, dst_off),
        mesh=mesh,
        out_type=[jax.ShapeDtypeStruct((_N, _H), jnp.float32),
                  jax.ShapeDtypeStruct((_N, _H), jnp.float32)],
        scratch_types=[
            pltpu.VMEM((_CHUNK,), jnp.int32),
            pltpu.VMEM((_CHUNK,), jnp.int32),
            pltpu.VMEM((_CHUNK,), jnp.int32),
            pltpu.VMEM((_CHUNK,), jnp.int32),
            pltpu.VMEM((_CHUNK, _H), jnp.float32),
            pltpu.VMEM((_CHUNK, _H), jnp.float32),
            pltpu.VMEM_SHARED((_NACC, _H), jnp.float32),
            pltpu.SemaphoreType.DMA,
            pltpu.SemaphoreType.DMA,
            pltpu.SemaphoreType.DMA,
            pltpu.SemaphoreType.DMA,
        ],
    )



def _dense(p0, p1, h, W, b, Wr, br, u_out, stats):
    i = pl.program_id(0)
    agg = p0[...] + p1[...]
    u = jnp.maximum(jnp.dot(agg, W[...], preferred_element_type=jnp.float32)
                    + b[...], 0.0)
    r = jnp.maximum(jnp.dot(h[...], Wr[...], preferred_element_type=jnp.float32)
                    + br[...], 0.0)
    u = u + r
    u_out[...] = u

    @pl.when(i == 0)
    def _():
        stats[...] = jnp.zeros_like(stats)

    stats[0:1, :] += jnp.sum(u, axis=0, keepdims=True)
    stats[1:2, :] += jnp.sum(u * u, axis=0, keepdims=True)


def _bn(u, stats, g, be, h_out):
    mu = stats[0:1, :] * (1.0 / _N)
    var = stats[1:2, :] * (1.0 / _N) - mu * mu
    sc = g[...] * lax.rsqrt(var + 1e-5)
    h_out[...] = (u[...] - mu) * sc + be[...]


def _bn_readout(u, stats, g, be, watt, batt, sum_out, max_out):
    i = pl.program_id(0)
    mu = stats[0:1, :] * (1.0 / _N)
    var = stats[1:2, :] * (1.0 / _N) - mu * mu
    sc = g[...] * lax.rsqrt(var + 1e-5)
    hh = (u[...] - mu) * sc + be[...]
    logits = jnp.dot(hh, watt[...], preferred_element_type=jnp.float32) + batt[...]
    w = jax.nn.sigmoid(logits[:, 0:1])
    ps = jnp.sum(w * hh, axis=0, keepdims=True)
    pm = jnp.max(hh, axis=0, keepdims=True)

    @pl.when(i == 0)
    def _():
        sum_out[...] = jnp.zeros_like(sum_out)
        max_out[...] = jnp.full_like(max_out, -jnp.inf)

    sum_out[0:1, :] += ps
    max_out[0:1, :] = jnp.maximum(max_out[0:1, :], pm)



def kernel(x, edge_index, W1, b1, Wr1, br1, g1, be1,
           W2, b2, Wr2, br2, g2, be2, w_att, b_att):
    E = edge_index.shape[1]
    nch = E // _CHUNK
    if nch * _CHUNK == E and nch % 2 == 0:
        edges = edge_index.reshape(2 * E)
        dst_off = E
    else:
        nch = -(-E // _CHUNK)
        nch += nch & 1
        padn = nch * _CHUNK - E
        pad_dst = _N + (jnp.arange(padn, dtype=jnp.int32) % (_NACC - _N))
        edges = jnp.concatenate([edge_index[0],
                                 jnp.zeros((padn,), jnp.int32),
                                 edge_index[1], pad_dst])
        dst_off = E + padn
    best = None
    for k0 in range(2, -(-nch // _NS) + 4, 2):
        rem = max(0, nch - _NS * k0)
        k1 = -(-rem // _NS)
        k1 += k1 & 1
        score = max(k0, k1)
        if best is None or score < best[0]:
            best = (score, k0, k1)
    _, k0, k1 = best
    seg = _make_seg(k0, k1, nch, dst_off)

    R = 10000
    NB = _N // R
    f32 = jnp.float32

    def blk():
        return pl.BlockSpec((R, _H), lambda i: (i, 0))

    wblk = pl.BlockSpec((_H, _H), lambda i: (0, 0))
    vblk = pl.BlockSpec((1, _H), lambda i: (0, 0))
    sblk = pl.BlockSpec((8, _H), lambda i: (0, 0))

    dense = pl.pallas_call(
        _dense, grid=(NB,),
        in_specs=[blk(), blk(), blk(), wblk, vblk, wblk, vblk],
        out_specs=[blk(), sblk],
        out_shape=[jax.ShapeDtypeStruct((_N, _H), f32),
                   jax.ShapeDtypeStruct((8, _H), f32)])
    bn = pl.pallas_call(
        _bn, grid=(NB,),
        in_specs=[blk(), sblk, vblk, vblk],
        out_specs=blk(),
        out_shape=jax.ShapeDtypeStruct((_N, _H), f32))
    readout = pl.pallas_call(
        _bn_readout, grid=(NB,),
        in_specs=[blk(), sblk, vblk, vblk, wblk, vblk],
        out_specs=[sblk, sblk],
        out_shape=[jax.ShapeDtypeStruct((8, _H), f32),
                   jax.ShapeDtypeStruct((8, _H), f32)])

    b1r, br1r = b1.reshape(1, _H), br1.reshape(1, _H)
    g1r, be1r = g1.reshape(1, _H), be1.reshape(1, _H)
    b2r, br2r = b2.reshape(1, _H), br2.reshape(1, _H)
    g2r, be2r = g2.reshape(1, _H), be2.reshape(1, _H)
    watt = jnp.broadcast_to(w_att, (_H, _H))
    batt = jnp.broadcast_to(b_att.reshape(1, 1), (1, _H))

    p1a, p1b = seg(x, edges)
    u1, st1 = dense(p1a, p1b, x, W1, b1r, Wr1, br1r)
    h1 = bn(u1, st1, g1r, be1r)
    p2a, p2b = seg(h1, edges)
    u2, st2 = dense(p2a, p2b, h1, W2, b2r, Wr2, br2r)
    s_out, m_out = readout(u2, st2, g2r, be2r, watt, batt)
    return jnp.concatenate([s_out[0:1], m_out[0:1]], axis=1)

# --- scband reference (transcript-rebuilt; emitter-appended) ---
"""Pipeline reference for scband-gcn-9715216023825 (READ-ONLY COPY).

The authoritative reference and input builder live on the scoring server;
editing this copy changes nothing except your own understanding.
"""

import jax, jax.numpy as jnp
import numpy as np

N = 10000
E = 320000
D = 128
H = 128


def setup_inputs(seed: int = 0) -> dict:
    key = jax.random.key(seed)
    ks = jax.random.split(key, 20)
    inp = {}
    inp['x'] = jax.random.normal(ks[0], (N, D), dtype=jnp.float32)
    inp['edge_index'] = jax.random.randint(ks[1], (2, E), 0, N, dtype=jnp.int32)
    # Layer 1 params (GraphConv W/b, residual Linear, BatchNorm gamma/beta)
    inp['W1'] = jax.random.normal(ks[2], (D, H), dtype=jnp.float32) * 0.05
    inp['b1'] = jnp.zeros((H,), dtype=jnp.float32)
    inp['Wr1'] = jax.random.normal(ks[3], (D, H), dtype=jnp.float32) * 0.05
    inp['br1'] = jnp.zeros((H,), dtype=jnp.float32)
    inp['g1'] = jnp.ones((H,), dtype=jnp.float32)
    inp['be1'] = jnp.zeros((H,), dtype=jnp.float32)
    # Layer 2 params
    inp['W2'] = jax.random.normal(ks[4], (H, H), dtype=jnp.float32) * 0.05
    inp['b2'] = jnp.zeros((H,), dtype=jnp.float32)
    inp['Wr2'] = jax.random.normal(ks[5], (H, H), dtype=jnp.float32) * 0.05
    inp['br2'] = jnp.zeros((H,), dtype=jnp.float32)
    inp['g2'] = jnp.ones((H,), dtype=jnp.float32)
    inp['be2'] = jnp.zeros((H,), dtype=jnp.float32)
    # WeightedSumAndMax readout: atom weighting linear (H -> 1)
    inp['w_att'] = jax.random.normal(ks[6], (H, 1), dtype=jnp.float32) * 0.05
    inp['b_att'] = jnp.zeros((1,), dtype=jnp.float32)
    return inp


def _batchnorm(h, gamma, beta):
    mu = jnp.mean(h, axis=0)
    var = jnp.var(h, axis=0)
    return gamma * (h - mu) / jnp.sqrt(var + 1e-5) + beta


def reference(x, edge_index, W1, b1, Wr1, br1, g1, be1, W2, b2, Wr2, br2, g2, be2, w_att, b_att):
    src = edge_index[0]
    dst = edge_index[1]

    def gcn_layer(h, W, b, Wr, br, gamma, beta):
        # GraphConv norm='none': sum-aggregate messages (copy_u, sum) then linear
        agg = jax.ops.segment_sum(h[src], dst, num_segments=N)
        out = jax.nn.relu(agg @ W + b)
        # residual connection with activation
        res = jax.nn.relu(h @ Wr + br)
        out = out + res
        # dropout p=0 -> identity; batchnorm (training-mode batch stats)
        return _batchnorm(out, gamma, beta)

    h = gcn_layer(x, W1, b1, Wr1, br1, g1, be1)
    h = gcn_layer(h, W2, b2, Wr2, br2, g2, be2)
    # WeightedSumAndMax readout over the single graph
    w = jax.nn.sigmoid(h @ w_att + b_att)  # [N, 1]
    h_sum = jnp.sum(w * h, axis=0, keepdims=True)  # [1, H]
    h_max = jnp.max(h, axis=0, keepdims=True)      # [1, H]
    return jnp.concatenate([h_sum, h_max], axis=1)  # [1, 2H]

if __name__ == "__main__":
    import jax
    _d = setup_inputs()
    print(jax.jit(kernel)(*tuple(_d.values())))

</pallas_src>

<mosaic_0001>
#map = affine_map<(d0, d1) -> (0, 0)>
#map1 = affine_map<(d0, d1) -> (0)>
module attributes {stable_mosaic.version = 14 : i64} {
  func.func @_sc_segment_sum(%arg0: i32, %arg1: i32, %arg2: memref<10000x128xf32, #tpu.memory_space<hbm>>, %arg3: memref<640000xi32, #tpu.memory_space<hbm>>, %arg4: memref<10000x128xf32, #tpu.memory_space<hbm>>, %arg5: memref<10000x128xf32, #tpu.memory_space<hbm>>, %arg6: memref<128xi32, #tpu.memory_space<vmem>>, %arg7: memref<128xi32, #tpu.memory_space<vmem>>, %arg8: memref<128xi32, #tpu.memory_space<vmem>>, %arg9: memref<128xi32, #tpu.memory_space<vmem>>, %arg10: memref<128x128xf32, #tpu.memory_space<vmem>>, %arg11: memref<128x128xf32, #tpu.memory_space<vmem>>, %arg12: memref<10112x128xf32, #tpu.memory_space<vmem_shared>>, %arg13: memref<!tpu.dma_semaphore, #tpu.memory_space<semaphore_mem>>, %arg14: memref<!tpu.dma_semaphore, #tpu.memory_space<semaphore_mem>>, %arg15: memref<!tpu.dma_semaphore, #tpu.memory_space<semaphore_mem>>, %arg16: memref<!tpu.dma_semaphore, #tpu.memory_space<semaphore_mem>>) attributes {dimension_semantics = [#tpu.dimension_semantics<core_parallel>, #tpu.dimension_semantics<subcore_parallel>], iteration_bounds = array<i64: 2, 16>, scalar_prefetch = 0 : i64, scratch_operands = 11 : i64, tpu.core_type = #tpu.core_type<sc_vector_subcore>, window_params = [{transform_indices = #map}, {transform_indices = #map1}, {transform_indices = #map}, {transform_indices = #map}]} {
    %eq3A = arith.constant 0 : i32
    %eq3A_0 = arith.cmpi eq, %arg0, %eq3A : i32
    %jit3A = arith.constant 78 : i32
    %jit3A_1 = arith.constant 80 : i32
    %select_n3A = arith.select %eq3A_0, %jit3A, %jit3A_1 : i32
    %mul3A = arith.constant 78 : i32
    %mul3A_2 = arith.muli %arg1, %mul3A : i32
    %mul3A_3 = arith.constant 80 : i32
    %mul3A_4 = arith.muli %arg1, %mul3A_3 : i32
    %add3A = arith.constant 1248 : i32
    %add3A_5 = arith.addi %add3A, %mul3A_4 : i32
    %select_n3A_6 = arith.select %eq3A_0, %mul3A_2, %add3A_5 : i32
    %sub3A = arith.constant 2500 : i32
    %sub3A_7 = arith.subi %sub3A, %select_n3A_6 : i32
    %max3A = arith.constant 0 : i32
    %max3A_8 = arith.maxsi %sub3A_7, %max3A : i32
    %min3A = arith.minsi %select_n3A, %max3A_8 : i32
    %scan3A = arith.constant 0 : i32
    %scan3A_9 = arith.constant 0 : i32
    %scan3A_10 = arith.constant 128 : i32
    %scan3A_11 = arith.addi %scan3A_9, %scan3A_10 : i32
    %scan3A_12 = arith.constant 1 : i32
    scf.for %scan3A_72 = %scan3A_9 to %scan3A_11 step %scan3A_12  : i32 {
      %broadcast_in_dim3A = arith.constant 0.000000e+00 : f32
      %broadcast_in_dim3A_73 = vector.broadcast %broadcast_in_dim3A : f32 to vector<16xf32>
      %swap3A = arith.index_cast %scan3A_72 : i32 to index
      %swap3A_74 = arith.constant 0 : index
      %swap3A_75 = tpu.vector_load %arg10[%swap3A, %swap3A_74] {strides = array<i32>} : memref<128x128xf32, #tpu.memory_space<vmem>>, vector<1x16xf32>,
      %swap3A_76 = vector.shape_cast %swap3A_75 : vector<1x16xf32> to vector<16xf32>
      %swap3A_77 = vector.shape_cast %broadcast_in_dim3A_73 : vector<16xf32> to vector<1x16xf32>
      tpu.vector_store %arg10[%swap3A, %swap3A_74], %swap3A_77 {strides = array<i32>} : memref<128x128xf32, #tpu.memory_space<vmem>>, vector<1x16xf32>,
      %broadcast_in_dim3A_78 = arith.constant 0.000000e+00 : f32
      %broadcast_in_dim3A_79 = vector.broadcast %broadcast_in_dim3A_78 : f32 to vector<16xf32>
      %swap3A_80 = arith.index_cast %scan3A_72 : i32 to index
      %swap3A_81 = arith.constant 16 : index
      %swap3A_82 = tpu.vector_load %arg10[%swap3A_80, %swap3A_81] {strides = array<i32>} : memref<128x128xf32, #tpu.memory_space<vmem>>, vector<1x16xf32>,
      %swap3A_83 = vector.shape_cast %swap3A_82 : vector<1x16xf32> to vector<16xf32>
      %swap3A_84 = vector.shape_cast %broadcast_in_dim3A_79 : vector<16xf32> to vector<1x16xf32>
      tpu.vector_store %arg10[%swap3A_80, %swap3A_81], %swap3A_84 {strides = array<i32>} : memref<128x128xf32, #tpu.memory_space<vmem>>, vector<1x16xf32>,
      %broadcast_in_dim3A_85 = arith.constant 0.000000e+00 : f32
      %broadcast_in_dim3A_86 = vector.broadcast %broadcast_in_dim3A_85 : f32 to vector<16xf32>
      %swap3A_87 = arith.index_cast %scan3A_72 : i32 to index
      %swap3A_88 = arith.constant 32 : index
      %swap3A_89 = tpu.vector_load %arg10[%swap3A_87, %swap3A_88] {strides = array<i32>} : memref<128x128xf32, #tpu.memory_space<vmem>>, vector<1x16xf32>,
      %swap3A_90 = vector.shape_cast %swap3A_89 : vector<1x16xf32> to vector<16xf32>
      %swap3A_91 = vector.shape_cast %broadcast_in_dim3A_86 : vector<16xf32> to vector<1x16xf32>
      tpu.vector_store %arg10[%swap3A_87, %swap3A_88], %swap3A_91 {strides = array<i32>} : memref<128x128xf32, #tpu.memory_space<vmem>>, vector<1x16xf32>,
      %broadcast_in_dim3A_92 = arith.constant 0.000000e+00 : f32
      %broadcast_in_dim3A_93 = vector.broadcast %broadcast_in_dim3A_92 : f32 to vector<16xf32>
      %swap3A_94 = arith.index_cast %scan3A_72 : i32 to index
      %swap3A_95 = arith.constant 48 : index
      %swap3A_96 = tpu.vector_load %arg10[%swap3A_94, %swap3A_95] {strides = array<i32>} : memref<128x128xf32, #tpu.memory_space<vmem>>, vector<1x16xf32>,
      %swap3A_97 = vector.shape_cast %swap3A_96 : vector<1x16xf32> to vector<16xf32>
      %swap3A_98 = vector.shape_cast %broadcast_in_dim3A_93 : vector<16xf32> to vector<1x16xf32>
      tpu.vector_store %arg10[%swap3A_94, %swap3A_95], %swap3A_98 {strides = array<i32>} : memref<128x128xf32, #tpu.memory_space<vmem>>, vector<1x16xf32>,
      %broadcast_in_dim3A_99 = arith.constant 0.000000e+00 : f32
      %broadcast_in_dim3A_100 = vector.broadcast %broadcast_in_dim3A_99 : f32 to vector<16xf32>
      %swap3A_101 = arith.index_cast %scan3A_72 : i32 to index
      %swap3A_102 = arith.constant 64 : index
      %swap3A_103 = tpu.vector_load %arg10[%swap3A_101, %swap3A_102] {strides = array<i32>} : memref<128x128xf32, #tpu.memory_space<vmem>>, vector<1x16xf32>,
      %swap3A_104 = vector.shape_cast %swap3A_103 : vector<1x16xf32> to vector<16xf32>
      %swap3A_105 = vector.shape_cast %broadcast_in_dim3A_100 : vector<16xf32> to vector<1x16xf32>
      tpu.vector_store %arg10[%swap3A_101, %swap3A_102], %swap3A_105 {strides = array<i32>} : memref<128x128xf32, #tpu.memory_space<vmem>>, vector<1x16xf32>,
      %broadcast_in_dim3A_106 = arith.constant 0.000000e+00 : f32
      %broadcast_in_dim3A_107 = vector.broadcast %broadcast_in_dim3A_106 : f32 to vector<16xf32>
      %swap3A_108 = arith.index_cast %scan3A_72 : i32 to index
      %swap3A_109 = arith.constant 80 : index
      %swap3A_110 = tpu.vector_load %arg10[%swap3A_108, %swap3A_109] {strides = array<i32>} : memref<128x128xf32, #tpu.memory_space<vmem>>, vector<1x16xf32>,
      %swap3A_111 = vector.shape_cast %swap3A_110 : vector<1x16xf32> to vector<16xf32>
      %swap3A_112 = vector.shape_cast %broadcast_in_dim3A_107 : vector<16xf32> to vector<1x16xf32>
      tpu.vector_store %arg10[%swap3A_108, %swap3A_109], %swap3A_112 {strides = array<i32>} : memref<128x128xf32, #tpu.memory_space<vmem>>, vector<1x16xf32>,
      %broadcast_in_dim3A_113 = arith.constant 0.000000e+00 : f32
      %broadcast_in_dim3A_114 = vector.broadcast %broadcast_in_dim3A_113 : f32 to vector<16xf32>
      %swap3A_115 = arith.index_cast %scan3A_72 : i32 to index
      %swap3A_116 = arith.constant 96 : index
      %swap3A_117 = tpu.vector_load %arg10[%swap3A_115, %swap3A_116] {strides = array<i32>} : memref<128x128xf32, #tpu.memory_space<vmem>>, vector<1x16xf32>,
      %swap3A_118 = vector.shape_cast %swap3A_117 : vector<1x16xf32> to vector<16xf32>
      %swap3A_119 = vector.shape_cast %broadcast_in_dim3A_114 : vector<16xf32> to vector<1x16xf32>
      tpu.vector_store %arg10[%swap3A_115, %swap3A_116], %swap3A_119 {strides = array<i32>} : memref<128x128xf32, #tpu.memory_space<vmem>>, vector<1x16xf32>,
      %broadcast_in_dim3A_120 = arith.constant 0.000000e+00 : f32
      %broadcast_in_dim3A_121 = vector.broadcast %broadcast_in_dim3A_120 : f32 to vector<16xf32>
      %swap3A_122 = arith.index_cast %scan3A_72 : i32 to index
      %swap3A_123 = arith.constant 112 : index
      %swap3A_124 = tpu.vector_load %arg10[%swap3A_122, %swap3A_123] {strides = array<i32>} : memref<128x128xf32, #tpu.memory_space<vmem>>, vector<1x16xf32>,
      %swap3A_125 = vector.shape_cast %swap3A_124 : vector<1x16xf32> to vector<16xf32>
      %swap3A_126 = vector.shape_cast %broadcast_in_dim3A_121 : vector<16xf32> to vector<1x16xf32>
      tpu.vector_store %arg10[%swap3A_122, %swap3A_123], %swap3A_126 {strides = array<i32>} : memref<128x128xf32, #tpu.memory_space<vmem>>, vector<1x16xf32>,
    }
    %scan3A_13 = arith.constant 128 : i32
    %mul3A_14 = arith.constant 632 : i32
    %mul3A_15 = arith.muli %arg1, %mul3A_14 : i32
    %add3A_16 = arith.constant 0 : i32
    %add3A_17 = arith.addi %mul3A_15, %add3A_16 : i32
    "tpu.region"() ({
      %run_scoped3A = tpu.sem_alloc : memref<!tpu.dma_semaphore, #tpu.memory_space<semaphore_mem>>
      %dma_start3A = arith.constant 0 : i32
      %dma_start3A_72 = tpu.memref_slice %arg12[%add3A_17, %dma_start3A] : memref<10112x128xf32, #tpu.memory_space<vmem_shared>> -> memref<128x128xf32, #tpu.memory_space<vmem_shared>>
      %dma_start3A_73 = arith.constant 0 : i32
      %dma_start3A_74 = tpu.memref_slice %arg12[%add3A_17, %dma_start3A_73] : memref<10112x128xf32, #tpu.memory_space<vmem_shared>> -> memref<128x128xf32, #tpu.memory_space<vmem_shared>>
      tpu.enqueue_dma source(%arg10 : memref<128x128xf32, #tpu.memory_space<vmem>>) target(%dma_start3A_74 : memref<128x128xf32, #tpu.memory_space<vmem_shared>>) target_semaphore(%run_scoped3A : memref<!tpu.dma_semaphore, #tpu.memory_space<semaphore_mem>>)
      %dma_wait3A = arith.constant 0 : i32
      %dma_wait3A_75 = tpu.memref_slice %arg12[%add3A_17, %dma_wait3A] : memref<10112x128xf32, #tpu.memory_space<vmem_shared>> -> memref<128x128xf32, #tpu.memory_space<vmem_shared>>
      %dma_wait3A_76 = arith.constant 0 : i32
      %dma_wait3A_77 = tpu.memref_slice %arg12[%add3A_17, %dma_wait3A_76] : memref<10112x128xf32, #tpu.memory_space<vmem_shared>> -> memref<128x128xf32, #tpu.memory_space<vmem_shared>>
      tpu.wait_dma2 semaphore(%run_scoped3A : memref<!tpu.dma_semaphore, #tpu.memory_space<semaphore_mem>>) src(%arg10 : memref<128x128xf32, #tpu.memory_space<vmem>>) dst(%dma_wait3A_77 : memref<128x128xf32, #tpu.memory_space<vmem_shared>>)
      tpu.yield
    }) : () -> ()
    %mul3A_18 = arith.constant 632 : i32
    %mul3A_19 = arith.muli %arg1, %mul3A_18 : i32
    %add3A_20 = arith.constant 128 : i32
    %add3A_21 = arith.addi %mul3A_19, %add3A_20 : i32
    "tpu.region"() ({
      %run_scoped3A = tpu.sem_alloc : memref<!tpu.dma_semaphore, #tpu.memory_space<semaphore_mem>>
      %dma_start3A = arith.constant 0 : i32
      %dma_start3A_72 = tpu.memref_slice %arg12[%add3A_21, %dma_start3A] : memref<10112x128xf32, #tpu.memory_space<vmem_shared>> -> memref<128x128xf32, #tpu.memory_space<vmem_shared>>
      %dma_start3A_73 = arith.constant 0 : i32
      %dma_start3A_74 = tpu.memref_slice %arg12[%add3A_21, %dma_start3A_73] : memref<10112x128xf32, #tpu.memory_space<vmem_shared>> -> memref<128x128xf32, #tpu.memory_space<vmem_shared>>
      tpu.enqueue_dma source(%arg10 : memref<128x128xf32, #tpu.memory_space<vmem>>) target(%dma_start3A_74 : memref<128x128xf32, #tpu.memory_space<vmem_shared>>) target_semaphore(%run_scoped3A : memref<!tpu.dma_semaphore, #tpu.memory_space<semaphore_mem>>)
      %dma_wait3A = arith.constant 0 : i32
      %dma_wait3A_75 = tpu.memref_slice %arg12[%add3A_21, %dma_wait3A] : memref<10112x128xf32, #tpu.memory_space<vmem_shared>> -> memref<128x128xf32, #tpu.memory_space<vmem_shared>>
      %dma_wait3A_76 = arith.constant 0 : i32
      %dma_wait3A_77 = tpu.memref_slice %arg12[%add3A_21, %dma_wait3A_76] : memref<10112x128xf32, #tpu.memory_space<vmem_shared>> -> memref<128x128xf32, #tpu.memory_space<vmem_shared>>
      tpu.wait_dma2 semaphore(%run_scoped3A : memref<!tpu.dma_semaphore, #tpu.memory_space<semaphore_mem>>) src(%arg10 : memref<128x128xf32, #tpu.memory_space<vmem>>) dst(%dma_wait3A_77 : memref<128x128xf32, #tpu.memory_space<vmem_shared>>)
      tpu.yield
    }) : () -> ()
    %mul3A_22 = arith.constant 632 : i32
    %mul3A_23 = arith.muli %arg1, %mul3A_22 : i32
    %add3A_24 = arith.constant 256 : i32
    %add3A_25 = arith.addi %mul3A_23, %add3A_24 : i32
    "tpu.region"() ({
      %run_scoped3A = tpu.sem_alloc : memref<!tpu.dma_semaphore, #tpu.memory_space<semaphore_mem>>
      %dma_start3A = arith.constant 0 : i32
      %dma_start3A_72 = tpu.memref_slice %arg12[%add3A_25, %dma_start3A] : memref<10112x128xf32, #tpu.memory_space<vmem_shared>> -> memref<128x128xf32, #tpu.memory_space<vmem_shared>>
      %dma_start3A_73 = arith.constant 0 : i32
      %dma_start3A_74 = tpu.memref_slice %arg12[%add3A_25, %dma_start3A_73] : memref<10112x128xf32, #tpu.memory_space<vmem_shared>> -> memref<128x128xf32, #tpu.memory_space<vmem_shared>>
      tpu.enqueue_dma source(%arg10 : memref<128x128xf32, #tpu.memory_space<vmem>>) target(%dma_start3A_74 : memref<128x128xf32, #tpu.memory_space<vmem_shared>>) target_semaphore(%run_scoped3A : memref<!tpu.dma_semaphore, #tpu.memory_space<semaphore_mem>>)
      %dma_wait3A = arith.constant 0 : i32
      %dma_wait3A_75 = tpu.memref_slice %arg12[%add3A_25, %dma_wait3A] : memref<10112x128xf32, #tpu.memory_space<vmem_shared>> -> memref<128x128xf32, #tpu.memory_space<vmem_shared>>
      %dma_wait3A_76 = arith.constant 0 : i32
      %dma_wait3A_77 = tpu.memref_slice %arg12[%add3A_25, %dma_wait3A_76] : memref<10112x128xf32, #tpu.memory_space<vmem_shared>> -> memref<128x128xf32, #tpu.memory_space<vmem_shared>>
      tpu.wait_dma2 semaphore(%run_scoped3A : memref<!tpu.dma_semaphore, #tpu.memory_space<semaphore_mem>>) src(%arg10 : memref<128x128xf32, #tpu.memory_space<vmem>>) dst(%dma_wait3A_77 : memref<128x128xf32, #tpu.memory_space<vmem_shared>>)
      tpu.yield
    }) : () -> ()
    %mul3A_26 = arith.constant 632 : i32
    %mul3A_27 = arith.muli %arg1, %mul3A_26 : i32
    %add3A_28 = arith.constant 384 : i32
    %add3A_29 = arith.addi %mul3A_27, %add3A_28 : i32
    "tpu.region"() ({
      %run_scoped3A = tpu.sem_alloc : memref<!tpu.dma_semaphore, #tpu.memory_space<semaphore_mem>>
      %dma_start3A = arith.constant 0 : i32
      %dma_start3A_72 = tpu.memref_slice %arg12[%add3A_29, %dma_start3A] : memref<10112x128xf32, #tpu.memory_space<vmem_shared>> -> memref<128x128xf32, #tpu.memory_space<vmem_shared>>
      %dma_start3A_73 = arith.constant 0 : i32
      %dma_start3A_74 = tpu.memref_slice %arg12[%add3A_29, %dma_start3A_73] : memref<10112x128xf32, #tpu.memory_space<vmem_shared>> -> memref<128x128xf32, #tpu.memory_space<vmem_shared>>
      tpu.enqueue_dma source(%arg10 : memref<128x128xf32, #tpu.memory_space<vmem>>) target(%dma_start3A_74 : memref<128x128xf32, #tpu.memory_space<vmem_shared>>) target_semaphore(%run_scoped3A : memref<!tpu.dma_semaphore, #tpu.memory_space<semaphore_mem>>)
      %dma_wait3A = arith.constant 0 : i32
      %dma_wait3A_75 = tpu.memref_slice %arg12[%add3A_29, %dma_wait3A] : memref<10112x128xf32, #tpu.memory_space<vmem_shared>> -> memref<128x128xf32, #tpu.memory_space<vmem_shared>>
      %dma_wait3A_76 = arith.constant 0 : i32
      %dma_wait3A_77 = tpu.memref_slice %arg12[%add3A_29, %dma_wait3A_76] : memref<10112x128xf32, #tpu.memory_space<vmem_shared>> -> memref<128x128xf32, #tpu.memory_space<vmem_shared>>
      tpu.wait_dma2 semaphore(%run_scoped3A : memref<!tpu.dma_semaphore, #tpu.memory_space<semaphore_mem>>) src(%arg10 : memref<128x128xf32, #tpu.memory_space<vmem>>) dst(%dma_wait3A_77 : memref<128x128xf32, #tpu.memory_space<vmem_shared>>)
      tpu.yield
    }) : () -> ()
    %mul3A_30 = arith.constant 632 : i32
    %mul3A_31 = arith.muli %arg1, %mul3A_30 : i32
    %add3A_32 = arith.constant 512 : i32
    %add3A_33 = arith.addi %mul3A_31, %add3A_32 : i32
    "tpu.region"() ({
      %run_scoped3A = tpu.sem_alloc : memref<!tpu.dma_semaphore, #tpu.memory_space<semaphore_mem>>
      %dma_start3A = arith.constant 0 : i32
      %dma_start3A_72 = arith.constant 0 : i32
      %dma_start3A_73 = tpu.memref_slice %arg10[%dma_start3A, %dma_start3A_72] : memref<128x128xf32, #tpu.memory_space<vmem>> -> memref<120x128xf32, #tpu.memory_space<vmem>>
      %dma_start3A_74 = arith.constant 0 : i32
      %dma_start3A_75 = tpu.memref_slice %arg12[%add3A_33, %dma_start3A_74] : memref<10112x128xf32, #tpu.memory_space<vmem_shared>> -> memref<120x128xf32, #tpu.memory_space<vmem_shared>>
      %dma_start3A_76 = arith.constant 0 : i32
      %dma_start3A_77 = tpu.memref_slice %arg12[%add3A_33, %dma_start3A_76] : memref<10112x128xf32, #tpu.memory_space<vmem_shared>> -> memref<120x128xf32, #tpu.memory_space<vmem_shared>>
      %dma_start3A_78 = arith.constant 0 : i32
      %dma_start3A_79 = arith.constant 0 : i32
      %dma_start3A_80 = tpu.memref_slice %arg10[%dma_start3A_78, %dma_start3A_79] : memref<128x128xf32, #tpu.memory_space<vmem>> -> memref<120x128xf32, #tpu.memory_space<vmem>>
      tpu.enqueue_dma source(%dma_start3A_80 : memref<120x128xf32, #tpu.memory_space<vmem>>) target(%dma_start3A_77 : memref<120x128xf32, #tpu.memory_space<vmem_shared>>) target_semaphore(%run_scoped3A : memref<!tpu.dma_semaphore, #tpu.memory_space<semaphore_mem>>)
      %dma_wait3A = arith.constant 0 : i32
      %dma_wait3A_81 = arith.constant 0 : i32
      %dma_wait3A_82 = tpu.memref_slice %arg10[%dma_wait3A, %dma_wait3A_81] : memref<128x128xf32, #tpu.memory_space<vmem>> -> memref<120x128xf32, #tpu.memory_space<vmem>>
      %dma_wait3A_83 = arith.constant 0 : i32
      %dma_wait3A_84 = tpu.memref_slice %arg12[%add3A_33, %dma_wait3A_83] : memref<10112x128xf32, #tpu.memory_space<vmem_shared>> -> memref<120x128xf32, #tpu.memory_space<vmem_shared>>
      %dma_wait3A_85 = arith.constant 0 : i32
      %dma_wait3A_86 = tpu.memref_slice %arg12[%add3A_33, %dma_wait3A_85] : memref<10112x128xf32, #tpu.memory_space<vmem_shared>> -> memref<120x128xf32, #tpu.memory_space<vmem_shared>>
      %dma_wait3A_87 = arith.constant 0 : i32
      %dma_wait3A_88 = arith.constant 0 : i32
      %dma_wait3A_89 = tpu.memref_slice %arg10[%dma_wait3A_87, %dma_wait3A_88] : memref<128x128xf32, #tpu.memory_space<vmem>> -> memref<120x128xf32, #tpu.memory_space<vmem>>
      tpu.wait_dma2 semaphore(%run_scoped3A : memref<!tpu.dma_semaphore, #tpu.memory_space<semaphore_mem>>) src(%dma_wait3A_89 : memref<120x128xf32, #tpu.memory_space<vmem>>) dst(%dma_wait3A_86 : memref<120x128xf32, #tpu.memory_space<vmem_shared>>)
      tpu.yield
    }) : () -> ()
    %barrier3A = arith.constant 0 : index
    tpu.barrier barrier_id(%barrier3A)
    %gt3A = arith.constant 0 : i32
    %gt3A_34 = arith.cmpi sgt, %min3A, %gt3A : i32
    %convert_element_type3A = arith.extui %gt3A_34 : i1 to i32
    %cond3A = arith.constant 0 : i32
    %cond3A_35 = arith.cmpi ne, %convert_element_type3A, %cond3A : i32
    scf.if %cond3A_35 {
      %mul3A_72 = arith.constant 128 : i32
      %mul3A_73 = arith.muli %select_n3A_6, %mul3A_72 : i32
      %dma_start3A = tpu.memref_slice %arg3[%mul3A_73] : memref<640000xi32, #tpu.memory_space<hbm>> -> memref<128xi32, #tpu.memory_space<hbm>>
      %dma_start3A_74 = tpu.memref_slice %arg3[%mul3A_73] : memref<640000xi32, #tpu.memory_space<hbm>> -> memref<128xi32, #tpu.memory_space<hbm>>
      tpu.enqueue_dma source(%dma_start3A_74 : memref<128xi32, #tpu.memory_space<hbm>>) target(%arg6 : memref<128xi32, #tpu.memory_space<vmem>>) target_semaphore(%arg13 : memref<!tpu.dma_semaphore, #tpu.memory_space<semaphore_mem>>)
      %mul3A_75 = arith.constant 128 : i32
      %mul3A_76 = arith.muli %select_n3A_6, %mul3A_75 : i32
      %add3A_77 = arith.constant 320000 : i32
      %add3A_78 = arith.addi %add3A_77, %mul3A_76 : i32
      %dma_start3A_79 = tpu.memref_slice %arg3[%add3A_78] : memref<640000xi32, #tpu.memory_space<hbm>> -> memref<128xi32, #tpu.memory_space<hbm>>
      %dma_start3A_80 = tpu.memref_slice %arg3[%add3A_78] : memref<640000xi32, #tpu.memory_space<hbm>> -> memref<128xi32, #tpu.memory_space<hbm>>
      tpu.enqueue_dma source(%dma_start3A_80 : memref<128xi32, #tpu.memory_space<hbm>>) target(%arg7 : memref<128xi32, #tpu.memory_space<vmem>>) target_semaphore(%arg13 : memref<!tpu.dma_semaphore, #tpu.memory_space<semaphore_mem>>)
      %add3A_81 = arith.constant 1 : i32
      %add3A_82 = arith.addi %select_n3A_6, %add3A_81 : i32
      %mul3A_83 = arith.constant 128 : i32
      %mul3A_84 = arith.muli %add3A_82, %mul3A_83 : i32
      %dma_start3A_85 = tpu.memref_slice %arg3[%mul3A_84] : memref<640000xi32, #tpu.memory_space<hbm>> -> memref<128xi32, #tpu.memory_space<hbm>>
      %dma_start3A_86 = tpu.memref_slice %arg3[%mul3A_84] : memref<640000xi32, #tpu.memory_space<hbm>> -> memref<128xi32, #tpu.memory_space<hbm>>
      tpu.enqueue_dma source(%dma_start3A_86 : memref<128xi32, #tpu.memory_space<hbm>>) target(%arg8 : memref<128xi32, #tpu.memory_space<vmem>>) target_semaphore(%arg14 : memref<!tpu.dma_semaphore, #tpu.memory_space<semaphore_mem>>)
      %add3A_87 = arith.constant 1 : i32
      %add3A_88 = arith.addi %select_n3A_6, %add3A_87 : i32
      %mul3A_89 = arith.constant 128 : i32
      %mul3A_90 = arith.muli %add3A_88, %mul3A_89 : i32
      %add3A_91 = arith.constant 320000 : i32
      %add3A_92 = arith.addi %add3A_91, %mul3A_90 : i32
      %dma_start3A_93 = tpu.memref_slice %arg3[%add3A_92] : memref<640000xi32, #tpu.memory_space<hbm>> -> memref<128xi32, #tpu.memory_space<hbm>>
      %dma_start3A_94 = tpu.memref_slice %arg3[%add3A_92] : memref<640000xi32, #tpu.memory_space<hbm>> -> memref<128xi32, #tpu.memory_space<hbm>>
      tpu.enqueue_dma source(%dma_start3A_94 : memref<128xi32, #tpu.memory_space<hbm>>) target(%arg9 : memref<128xi32, #tpu.memory_space<vmem>>) target_semaphore(%arg14 : memref<!tpu.dma_semaphore, #tpu.memory_space<semaphore_mem>>)
    } else {
    }
    %jit3A_36 = arith.constant 2 : i32
    %div3A = arith.divsi %min3A, %jit3A_36 : i32
    %sign3A = arith.constant 0 : i32
    %sign3A_37 = arith.cmpi sgt, %min3A, %sign3A : i32
    %sign3A_38 = arith.extui %sign3A_37 : i1 to i32
    %sign3A_39 = arith.constant 0 : i32
    %sign3A_40 = arith.cmpi slt, %min3A, %sign3A_39 : i32
    %sign3A_41 = arith.extui %sign3A_40 : i1 to i32
    %sign3A_42 = arith.subi %sign3A_38, %sign3A_41 : i32
    %sign3A_43 = arith.constant 0 : i32
    %sign3A_44 = arith.cmpi sgt, %jit3A_36, %sign3A_43 : i32
    %sign3A_45 = arith.extui %sign3A_44 : i1 to i32
    %sign3A_46 = arith.constant 0 : i32
    %sign3A_47 = arith.cmpi slt, %jit3A_36, %sign3A_46 : i32
    %sign3A_48 = arith.extui %sign3A_47 : i1 to i32
    %sign3A_49 = arith.subi %sign3A_45, %sign3A_48 : i32
    %ne3A = arith.cmpi ne, %sign3A_42, %sign3A_49 : i32
    %rem3A = arith.remsi %min3A, %jit3A_36 : i32
    %ne3A_50 = arith.constant 0 : i32
    %ne3A_51 = arith.cmpi ne, %rem3A, %ne3A_50 : i32
    %and3A = arith.andi %ne3A, %ne3A_51 : i1
    %sub3A_52 = arith.constant 1 : i32
    %sub3A_53 = arith.subi %div3A, %sub3A_52 : i32
    %select_n3A_54 = arith.select %and3A, %sub3A_53, %div3A : i32
    %while3A = arith.constant 0 : i32
    %while3A_55 = arith.constant 0 : i32
    %while3A_56 = arith.subi %select_n3A_54, %while3A_55 : i32
    %while3A_57 = arith.addi %while3A_55, %while3A_56 : i32
    %while3A_58 = arith.constant 1 : i32
    %while3A_59 = arith.divsi %while3A_56, %while3A_58 : i32
    %while3A_60 = arith.muli %while3A_59, %while3A_58 : i32
    %while3A_61 = arith.addi %while3A_55, %while3A_60 : i32
    %while3A_62 = arith.constant 1 : i32
    scf.for %while3A_72 = %while3A_55 to %while3A_61 step %while3A_62  : i32 {
      %mul3A_73 = arith.constant 2 : i32
      %mul3A_74 = arith.muli %mul3A_73, %while3A_72 : i32
      %add3A_75 = arith.addi %select_n3A_6, %mul3A_74 : i32
      %mul3A_76 = arith.constant 128 : i32
      %mul3A_77 = arith.muli %add3A_75, %mul3A_76 : i32
      %dma_wait3A = tpu.memref_slice %arg3[%mul3A_77] : memref<640000xi32, #tpu.memory_space<hbm>> -> memref<128xi32, #tpu.memory_space<hbm>>
      %dma_wait3A_78 = tpu.memref_slice %arg3[%mul3A_77] : memref<640000xi32, #tpu.memory_space<hbm>> -> memref<128xi32, #tpu.memory_space<hbm>>
      tpu.wait_dma2 semaphore(%arg13 : memref<!tpu.dma_semaphore, #tpu.memory_space<semaphore_mem>>) src(%dma_wait3A_78 : memref<128xi32, #tpu.memory_space<hbm>>) dst(%arg6 : memref<128xi32, #tpu.memory_space<vmem>>)
      %add3A_79 = arith.addi %select_n3A_6, %mul3A_74 : i32
      %mul3A_80 = arith.constant 128 : i32
      %mul3A_81 = arith.muli %add3A_79, %mul3A_80 : i32
      %add3A_82 = arith.constant 320000 : i32
      %add3A_83 = arith.addi %add3A_82, %mul3A_81 : i32
      %dma_wait3A_84 = tpu.memref_slice %arg3[%add3A_83] : memref<640000xi32, #tpu.memory_space<hbm>> -> memref<128xi32, #tpu.memory_space<hbm>>
      %dma_wait3A_85 = tpu.memref_slice %arg3[%add3A_83] : memref<640000xi32, #tpu.memory_space<hbm>> -> memref<128xi32, #tpu.memory_space<hbm>>
      tpu.wait_dma2 semaphore(%arg13 : memref<!tpu.dma_semaphore, #tpu.memory_space<semaphore_mem>>) src(%dma_wait3A_85 : memref<128xi32, #tpu.memory_space<hbm>>) dst(%arg7 : memref<128xi32, #tpu.memory_space<vmem>>)
      %dma_start3A = arith.constant 0 : i32
      %dma_start3A_86 = arith.constant 0 : i32
      %dma_start3A_87 = tpu.memref_slice %arg2[%dma_start3A, %dma_start3A_86] : memref<10000x128xf32, #tpu.memory_space<hbm>> -> memref<10000x128xf32, #tpu.memory_space<hbm>>
      tpu.enqueue_indirect_dma source(%dma_start3A_87 : memref<10000x128xf32, #tpu.memory_space<hbm>>) target(%arg10 : memref<128x128xf32, #tpu.memory_space<vmem>>) offsets(%arg6 : memref<128xi32, #tpu.memory_space<vmem>>) semaphore(%arg15 : memref<!tpu.dma_semaphore, #tpu.memory_space<semaphore_mem>>)
      %add3A_88 = arith.addi %select_n3A_6, %mul3A_74 : i32
      %add3A_89 = arith.constant 1 : i32
      %add3A_90 = arith.addi %add3A_88, %add3A_89 : i32
      %mul3A_91 = arith.constant 128 : i32
      %mul3A_92 = arith.muli %add3A_90, %mul3A_91 : i32
      %dma_wait3A_93 = tpu.memref_slice %arg3[%mul3A_92] : memref<640000xi32, #tpu.memory_space<hbm>> -> memref<128xi32, #tpu.memory_space<hbm>>
      %dma_wait3A_94 = tpu.memref_slice %arg3[%mul3A_92] : memref<640000xi32, #tpu.memory_space<hbm>> -> memref<128xi32, #tpu.memory_space<hbm>>
      tpu.wait_dma2 semaphore(%arg14 : memref<!tpu.dma_semaphore, #tpu.memory_space<semaphore_mem>>) src(%dma_wait3A_94 : memref<128xi32, #tpu.memory_space<hbm>>) dst(%arg8 : memref<128xi32, #tpu.memory_space<vmem>>)
      %add3A_95 = arith.addi %select_n3A_6, %mul3A_74 : i32
      %add3A_96 = arith.constant 1 : i32
      %add3A_97 = arith.addi %add3A_95, %add3A_96 : i32
      %mul3A_98 = arith.constant 128 : i32
      %mul3A_99 = arith.muli %add3A_97, %mul3A_98 : i32
      %add3A_100 = arith.constant 320000 : i32
      %add3A_101 = arith.addi %add3A_100, %mul3A_99 : i32
      %dma_wait3A_102 = tpu.memref_slice %arg3[%add3A_101] : memref<640000xi32, #tpu.memory_space<hbm>> -> memref<128xi32, #tpu.memory_space<hbm>>
      %dma_wait3A_103 = tpu.memref_slice %arg3[%add3A_101] : memref<640000xi32, #tpu.memory_space<hbm>> -> memref<128xi32, #tpu.memory_space<hbm>>
      tpu.wait_dma2 semaphore(%arg14 : memref<!tpu.dma_semaphore, #tpu.memory_space<semaphore_mem>>) src(%dma_wait3A_103 : memref<128xi32, #tpu.memory_space<hbm>>) dst(%arg9 : memref<128xi32, #tpu.memory_space<vmem>>)
      %dma_start3A_104 = arith.constant 0 : i32
      %dma_start3A_105 = arith.constant 0 : i32
      %dma_start3A_106 = tpu.memref_slice %arg2[%dma_start3A_104, %dma_start3A_105] : memref<10000x128xf32, #tpu.memory_space<hbm>> -> memref<10000x128xf32, #tpu.memory_space<hbm>>
      tpu.enqueue_indirect_dma source(%dma_start3A_106 : memref<10000x128xf32, #tpu.memory_space<hbm>>) target(%arg11 : memref<128x128xf32, #tpu.memory_space<vmem>>) offsets(%arg8 : memref<128xi32, #tpu.memory_space<vmem>>) semaphore(%arg16 : memref<!tpu.dma_semaphore, #tpu.memory_space<semaphore_mem>>)
      %dma_wait3A_107 = arith.constant 0 : i32
      %dma_wait3A_108 = arith.constant 0 : i32
      %dma_wait3A_109 = tpu.memref_slice %arg2[%dma_wait3A_107, %dma_wait3A_108] : memref<10000x128xf32, #tpu.memory_space<hbm>> -> memref<10000x128xf32, #tpu.memory_space<hbm>>
      tpu.wait_indirect_dma semaphore(%arg15 : memref<!tpu.dma_semaphore, #tpu.memory_space<semaphore_mem>>) src(%dma_wait3A_109 : memref<10000x128xf32, #tpu.memory_space<hbm>>) dst(%arg10 : memref<128x128xf32, #tpu.memory_space<vmem>>)
      "tpu.region"() ({
        %run_scoped3A = tpu.sem_alloc : memref<!tpu.dma_semaphore, #tpu.memory_space<semaphore_mem>>
        %dma_start3A_124 = arith.constant 0 : i32
        %dma_start3A_125 = arith.constant 0 : i32
        %dma_start3A_126 = tpu.memref_slice %arg12[%dma_start3A_124, %dma_start3A_125] : memref<10112x128xf32, #tpu.memory_space<vmem_shared>> -> memref<10112x128xf32, #tpu.memory_space<vmem_shared>>
        tpu.enqueue_indirect_dma source(%arg10 : memref<128x128xf32, #tpu.memory_space<vmem>>) target(%dma_start3A_126 : memref<10112x128xf32, #tpu.memory_space<vmem_shared>>) offsets(%arg7 : memref<128xi32, #tpu.memory_space<vmem>>) semaphore(%run_scoped3A : memref<!tpu.dma_semaphore, #tpu.memory_space<semaphore_mem>>) {add = true}
        %dma_wait3A_127 = arith.constant 0 : i32
        %dma_wait3A_128 = arith.constant 0 : i32
        %dma_wait3A_129 = tpu.memref_slice %arg12[%dma_wait3A_127, %dma_wait3A_128] : memref<10112x128xf32, #tpu.memory_space<vmem_shared>> -> memref<10112x128xf32, #tpu.memory_space<vmem_shared>>
        tpu.wait_indirect_dma semaphore(%run_scoped3A : memref<!tpu.dma_semaphore, #tpu.memory_space<semaphore_mem>>) src(%arg10 : memref<128x128xf32, #tpu.memory_space<vmem>>) dst(%dma_wait3A_129 : memref<10112x128xf32, #tpu.memory_space<vmem_shared>>)
        tpu.yield
      }) : () -> ()
      %add3A_110 = arith.constant 2 : i32
      %add3A_111 = arith.addi %mul3A_74, %add3A_110 : i32
      %lt3A = arith.cmpi slt, %add3A_111, %min3A : i32
      %convert_element_type3A_112 = arith.extui %lt3A : i1 to i32
      %cond3A_113 = arith.constant 0 : i32
      %cond3A_114 = arith.cmpi ne, %convert_element_type3A_112, %cond3A_113 : i32
      scf.if %cond3A_114 {
        %add3A_124 = arith.addi %select_n3A_6, %mul3A_74 : i32
        %add3A_125 = arith.constant 2 : i32
        %add3A_126 = arith.addi %add3A_124, %add3A_125 : i32
        %mul3A_127 = arith.constant 128 : i32
        %mul3A_128 = arith.muli %add3A_126, %mul3A_127 : i32
        %dma_start3A_129 = tpu.memref_slice %arg3[%mul3A_128] : memref<640000xi32, #tpu.memory_space<hbm>> -> memref<128xi32, #tpu.memory_space<hbm>>
        %dma_start3A_130 = tpu.memref_slice %arg3[%mul3A_128] : memref<640000xi32, #tpu.memory_space<hbm>> -> memref<128xi32, #tpu.memory_space<hbm>>
        tpu.enqueue_dma source(%dma_start3A_130 : memref<128xi32, #tpu.memory_space<hbm>>) target(%arg6 : memref<128xi32, #tpu.memory_space<vmem>>) target_semaphore(%arg13 : memref<!tpu.dma_semaphore, #tpu.memory_space<semaphore_mem>>)
        %add3A_131 = arith.addi %select_n3A_6, %mul3A_74 : i32
        %add3A_132 = arith.constant 2 : i32
        %add3A_133 = arith.addi %add3A_131, %add3A_132 : i32
        %mul3A_134 = arith.constant 128 : i32
        %mul3A_135 = arith.muli %add3A_133, %mul3A_134 : i32
        %add3A_136 = arith.constant 320000 : i32
        %add3A_137 = arith.addi %add3A_136, %mul3A_135 : i32
        %dma_start3A_138 = tpu.memref_slice %arg3[%add3A_137] : memref<640000xi32, #tpu.memory_space<hbm>> -> memref<128xi32, #tpu.memory_space<hbm>>
        %dma_start3A_139 = tpu.memref_slice %arg3[%add3A_137] : memref<640000xi32, #tpu.memory_space<hbm>> -> memref<128xi32, #tpu.memory_space<hbm>>
        tpu.enqueue_dma source(%dma_start3A_139 : memref<128xi32, #tpu.memory_space<hbm>>) target(%arg7 : memref<128xi32, #tpu.memory_space<vmem>>) target_semaphore(%arg13 : memref<!tpu.dma_semaphore, #tpu.memory_space<semaphore_mem>>)
      } else {
      }
      %dma_wait3A_115 = arith.constant 0 : i32
      %dma_wait3A_116 = arith.constant 0 : i32
      %dma_wait3A_117 = tpu.memref_slice %arg2[%dma_wait3A_115, %dma_wait3A_116] : memref<10000x128xf32, #tpu.memory_space<hbm>> -> memref<10000x128xf32, #tpu.memory_space<hbm>>
      tpu.wait_indirect_dma semaphore(%arg16 : memref<!tpu.dma_semaphore, #tpu.memory_space<semaphore_mem>>) src(%dma_wait3A_117 : memref<10000x128xf32, #tpu.memory_space<hbm>>) dst(%arg11 : memref<128x128xf32, #tpu.memory_space<vmem>>)
      "tpu.region"() ({
        %run_scoped3A = tpu.sem_alloc : memref<!tpu.dma_semaphore, #tpu.memory_space<semaphore_mem>>
        %dma_start3A_124 = arith.constant 0 : i32
        %dma_start3A_125 = arith.constant 0 : i32
        %dma_start3A_126 = tpu.memref_slice %arg12[%dma_start3A_124, %dma_start3A_125] : memref<10112x128xf32, #tpu.memory_space<vmem_shared>> -> memref<10112x128xf32, #tpu.memory_space<vmem_shared>>
        tpu.enqueue_indirect_dma source(%arg11 : memref<128x128xf32, #tpu.memory_space<vmem>>) target(%dma_start3A_126 : memref<10112x128xf32, #tpu.memory_space<vmem_shared>>) offsets(%arg9 : memref<128xi32, #tpu.memory_space<vmem>>) semaphore(%run_scoped3A : memref<!tpu.dma_semaphore, #tpu.memory_space<semaphore_mem>>) {add = true}
        %dma_wait3A_127 = arith.constant 0 : i32
        %dma_wait3A_128 = arith.constant 0 : i32
        %dma_wait3A_129 = tpu.memref_slice %arg12[%dma_wait3A_127, %dma_wait3A_128] : memref<10112x128xf32, #tpu.memory_space<vmem_shared>> -> memref<10112x128xf32, #tpu.memory_space<vmem_shared>>
        tpu.wait_indirect_dma semaphore(%run_scoped3A : memref<!tpu.dma_semaphore, #tpu.memory_space<semaphore_mem>>) src(%arg11 : memref<128x128xf32, #tpu.memory_space<vmem>>) dst(%dma_wait3A_129 : memref<10112x128xf32, #tpu.memory_space<vmem_shared>>)
        tpu.yield
      }) : () -> ()
      %add3A_118 = arith.constant 3 : i32
      %add3A_119 = arith.addi %mul3A_74, %add3A_118 : i32
      %lt3A_120 = arith.cmpi slt, %add3A_119, %min3A : i32
      %convert_element_type3A_121 = arith.extui %lt3A_120 : i1 to i32
      %cond3A_122 = arith.constant 0 : i32
      %cond3A_123 = arith.cmpi ne, %convert_element_type3A_121, %cond3A_122 : i32
      scf.if %cond3A_123 {
        %add3A_124 = arith.addi %select_n3A_6, %mul3A_74 : i32
        %add3A_125 = arith.constant 3 : i32
        %add3A_126 = arith.addi %add3A_124, %add3A_125 : i32
        %mul3A_127 = arith.constant 128 : i32
        %mul3A_128 = arith.muli %add3A_126, %mul3A_127 : i32
        %dma_start3A_129 = tpu.memref_slice %arg3[%mul3A_128] : memref<640000xi32, #tpu.memory_space<hbm>> -> memref<128xi32, #tpu.memory_space<hbm>>
        %dma_start3A_130 = tpu.memref_slice %arg3[%mul3A_128] : memref<640000xi32, #tpu.memory_space<hbm>> -> memref<128xi32, #tpu.memory_space<hbm>>
        tpu.enqueue_dma source(%dma_start3A_130 : memref<128xi32, #tpu.memory_space<hbm>>) target(%arg8 : memref<128xi32, #tpu.memory_space<vmem>>) target_semaphore(%arg14 : memref<!tpu.dma_semaphore, #tpu.memory_space<semaphore_mem>>)
        %add3A_131 = arith.addi %select_n3A_6, %mul3A_74 : i32
        %add3A_132 = arith.constant 3 : i32
        %add3A_133 = arith.addi %add3A_131, %add3A_132 : i32
        %mul3A_134 = arith.constant 128 : i32
        %mul3A_135 = arith.muli %add3A_133, %mul3A_134 : i32
        %add3A_136 = arith.constant 320000 : i32
        %add3A_137 = arith.addi %add3A_136, %mul3A_135 : i32
        %dma_start3A_138 = tpu.memref_slice %arg3[%add3A_137] : memref<640000xi32, #tpu.memory_space<hbm>> -> memref<128xi32, #tpu.memory_space<hbm>>
        %dma_start3A_139 = tpu.memref_slice %arg3[%add3A_137] : memref<640000xi32, #tpu.memory_space<hbm>> -> memref<128xi32, #tpu.memory_space<hbm>>
        tpu.enqueue_dma source(%dma_start3A_139 : memref<128xi32, #tpu.memory_space<hbm>>) target(%arg9 : memref<128xi32, #tpu.memory_space<vmem>>) target_semaphore(%arg14 : memref<!tpu.dma_semaphore, #tpu.memory_space<semaphore_mem>>)
      } else {
      }
    }
    %while3A_63 = arith.constant 1 : i32
    scf.for %while3A_72 = %while3A_61 to %while3A_57 step %while3A_63  : i32 {
      %mul3A_73 = arith.constant 2 : i32
      %mul3A_74 = arith.muli %mul3A_73, %while3A_72 : i32
      %add3A_75 = arith.addi %select_n3A_6, %mul3A_74 : i32
      %mul3A_76 = arith.constant 128 : i32
      %mul3A_77 = arith.muli %add3A_75, %mul3A_76 : i32
      %dma_wait3A = tpu.memref_slice %arg3[%mul3A_77] : memref<640000xi32, #tpu.memory_space<hbm>> -> memref<128xi32, #tpu.memory_space<hbm>>
      %dma_wait3A_78 = tpu.memref_slice %arg3[%mul3A_77] : memref<640000xi32, #tpu.memory_space<hbm>> -> memref<128xi32, #tpu.memory_space<hbm>>
      tpu.wait_dma2 semaphore(%arg13 : memref<!tpu.dma_semaphore, #tpu.memory_space<semaphore_mem>>) src(%dma_wait3A_78 : memref<128xi32, #tpu.memory_space<hbm>>) dst(%arg6 : memref<128xi32, #tpu.memory_space<vmem>>)
      %add3A_79 = arith.addi %select_n3A_6, %mul3A_74 : i32
      %mul3A_80 = arith.constant 128 : i32
      %mul3A_81 = arith.muli %add3A_79, %mul3A_80 : i32
      %add3A_82 = arith.constant 320000 : i32
      %add3A_83 = arith.addi %add3A_82, %mul3A_81 : i32
      %dma_wait3A_84 = tpu.memref_slice %arg3[%add3A_83] : memref<640000xi32, #tpu.memory_space<hbm>> -> memref<128xi32, #tpu.memory_space<hbm>>
      %dma_wait3A_85 = tpu.memref_slice %arg3[%add3A_83] : memref<640000xi32, #tpu.memory_space<hbm>> -> memref<128xi32, #tpu.memory_space<hbm>>
      tpu.wait_dma2 semaphore(%arg13 : memref<!tpu.dma_semaphore, #tpu.memory_space<semaphore_mem>>) src(%dma_wait3A_85 : memref<128xi32, #tpu.memory_space<hbm>>) dst(%arg7 : memref<128xi32, #tpu.memory_space<vmem>>)
      %dma_start3A = arith.constant 0 : i32
      %dma_start3A_86 = arith.constant 0 : i32
      %dma_start3A_87 = tpu.memref_slice %arg2[%dma_start3A, %dma_start3A_86] : memref<10000x128xf32, #tpu.memory_space<hbm>> -> memref<10000x128xf32, #tpu.memory_space<hbm>>
      tpu.enqueue_indirect_dma source(%dma_start3A_87 : memref<10000x128xf32, #tpu.memory_space<hbm>>) target(%arg10 : memref<128x128xf32, #tpu.memory_space<vmem>>) offsets(%arg6 : memref<128xi32, #tpu.memory_space<vmem>>) semaphore(%arg15 : memref<!tpu.dma_semaphore, #tpu.memory_space<semaphore_mem>>)
      %add3A_88 = arith.addi %select_n3A_6, %mul3A_74 : i32
      %add3A_89 = arith.constant 1 : i32
      %add3A_90 = arith.addi %add3A_88, %add3A_89 : i32
      %mul3A_91 = arith.constant 128 : i32
      %mul3A_92 = arith.muli %add3A_90, %mul3A_91 : i32
      %dma_wait3A_93 = tpu.memref_slice %arg3[%mul3A_92] : memref<640000xi32, #tpu.memory_space<hbm>> -> memref<128xi32, #tpu.memory_space<hbm>>
      %dma_wait3A_94 = tpu.memref_slice %arg3[%mul3A_92] : memref<640000xi32, #tpu.memory_space<hbm>> -> memref<128xi32, #tpu.memory_space<hbm>>
      tpu.wait_dma2 semaphore(%arg14 : memref<!tpu.dma_semaphore, #tpu.memory_space<semaphore_mem>>) src(%dma_wait3A_94 : memref<128xi32, #tpu.memory_space<hbm>>) dst(%arg8 : memref<128xi32, #tpu.memory_space<vmem>>)
      %add3A_95 = arith.addi %select_n3A_6, %mul3A_74 : i32
      %add3A_96 = arith.constant 1 : i32
      %add3A_97 = arith.addi %add3A_95, %add3A_96 : i32
      %mul3A_98 = arith.constant 128 : i32
      %mul3A_99 = arith.muli %add3A_97, %mul3A_98 : i32
      %add3A_100 = arith.constant 320000 : i32
      %add3A_101 = arith.addi %add3A_100, %mul3A_99 : i32
      %dma_wait3A_102 = tpu.memref_slice %arg3[%add3A_101] : memref<640000xi32, #tpu.memory_space<hbm>> -> memref<128xi32, #tpu.memory_space<hbm>>
      %dma_wait3A_103 = tpu.memref_slice %arg3[%add3A_101] : memref<640000xi32, #tpu.memory_space<hbm>> -> memref<128xi32, #tpu.memory_space<hbm>>
      tpu.wait_dma2 semaphore(%arg14 : memref<!tpu.dma_semaphore, #tpu.memory_space<semaphore_mem>>) src(%dma_wait3A_103 : memref<128xi32, #tpu.memory_space<hbm>>) dst(%arg9 : memref<128xi32, #tpu.memory_space<vmem>>)
      %dma_start3A_104 = arith.constant 0 : i32
      %dma_start3A_105 = arith.constant 0 : i32
      %dma_start3A_106 = tpu.memref_slice %arg2[%dma_start3A_104, %dma_start3A_105] : memref<10000x128xf32, #tpu.memory_space<hbm>> -> memref<10000x128xf32, #tpu.memory_space<hbm>>
      tpu.enqueue_indirect_dma source(%dma_start3A_106 : memref<10000x128xf32, #tpu.memory_space<hbm>>) target(%arg11 : memref<128x128xf32, #tpu.memory_space<vmem>>) offsets(%arg8 : memref<128xi32, #tpu.memory_space<vmem>>) semaphore(%arg16 : memref<!tpu.dma_semaphore, #tpu.memory_space<semaphore_mem>>)
      %dma_wait3A_107 = arith.constant 0 : i32
      %dma_wait3A_108 = arith.constant 0 : i32
      %dma_wait3A_109 = tpu.memref_slice %arg2[%dma_wait3A_107, %dma_wait3A_108] : memref<10000x128xf32, #tpu.memory_space<hbm>> -> memref<10000x128xf32, #tpu.memory_space<hbm>>
      tpu.wait_indirect_dma semaphore(%arg15 : memref<!tpu.dma_semaphore, #tpu.memory_space<semaphore_mem>>) src(%dma_wait3A_109 : memref<10000x128xf32, #tpu.memory_space<hbm>>) dst(%arg10 : memref<128x128xf32, #tpu.memory_space<vmem>>)
      "tpu.region"() ({
        %run_scoped3A = tpu.sem_alloc : memref<!tpu.dma_semaphore, #tpu.memory_space<semaphore_mem>>
        %dma_start3A_124 = arith.constant 0 : i32
        %dma_start3A_125 = arith.constant 0 : i32
        %dma_start3A_126 = tpu.memref_slice %arg12[%dma_start3A_124, %dma_start3A_125] : memref<10112x128xf32, #tpu.memory_space<vmem_shared>> -> memref<10112x128xf32, #tpu.memory_space<vmem_shared>>
        tpu.enqueue_indirect_dma source(%arg10 : memref<128x128xf32, #tpu.memory_space<vmem>>) target(%dma_start3A_126 : memref<10112x128xf32, #tpu.memory_space<vmem_shared>>) offsets(%arg7 : memref<128xi32, #tpu.memory_space<vmem>>) semaphore(%run_scoped3A : memref<!tpu.dma_semaphore, #tpu.memory_space<semaphore_mem>>) {add = true}
        %dma_wait3A_127 = arith.constant 0 : i32
        %dma_wait3A_128 = arith.constant 0 : i32
        %dma_wait3A_129 = tpu.memref_slice %arg12[%dma_wait3A_127, %dma_wait3A_128] : memref<10112x128xf32, #tpu.memory_space<vmem_shared>> -> memref<10112x128xf32, #tpu.memory_space<vmem_shared>>
        tpu.wait_indirect_dma semaphore(%run_scoped3A : memref<!tpu.dma_semaphore, #tpu.memory_space<semaphore_mem>>) src(%arg10 : memref<128x128xf32, #tpu.memory_space<vmem>>) dst(%dma_wait3A_129 : memref<10112x128xf32, #tpu.memory_space<vmem_shared>>)
        tpu.yield
      }) : () -> ()
      %add3A_110 = arith.constant 2 : i32
      %add3A_111 = arith.addi %mul3A_74, %add3A_110 : i32
      %lt3A = arith.cmpi slt, %add3A_111, %min3A : i32
      %convert_element_type3A_112 = arith.extui %lt3A : i1 to i32
      %cond3A_113 = arith.constant 0 : i32
      %cond3A_114 = arith.cmpi ne, %convert_element_type3A_112, %cond3A_113 : i32
      scf.if %cond3A_114 {
        %add3A_124 = arith.addi %select_n3A_6, %mul3A_74 : i32
        %add3A_125 = arith.constant 2 : i32
        %add3A_126 = arith.addi %add3A_124, %add3A_125 : i32
        %mul3A_127 = arith.constant 128 : i32
        %mul3A_128 = arith.muli %add3A_126, %mul3A_127 : i32
        %dma_start3A_129 = tpu.memref_slice %arg3[%mul3A_128] : memref<640000xi32, #tpu.memory_space<hbm>> -> memref<128xi32, #tpu.memory_space<hbm>>
        %dma_start3A_130 = tpu.memref_slice %arg3[%mul3A_128] : memref<640000xi32, #tpu.memory_space<hbm>> -> memref<128xi32, #tpu.memory_space<hbm>>
        tpu.enqueue_dma source(%dma_start3A_130 : memref<128xi32, #tpu.memory_space<hbm>>) target(%arg6 : memref<128xi32, #tpu.memory_space<vmem>>) target_semaphore(%arg13 : memref<!tpu.dma_semaphore, #tpu.memory_space<semaphore_mem>>)
        %add3A_131 = arith.addi %select_n3A_6, %mul3A_74 : i32
        %add3A_132 = arith.constant 2 : i32
        %add3A_133 = arith.addi %add3A_131, %add3A_132 : i32
        %mul3A_134 = arith.constant 128 : i32
        %mul3A_135 = arith.muli %add3A_133, %mul3A_134 : i32
        %add3A_136 = arith.constant 320000 : i32
        %add3A_137 = arith.addi %add3A_136, %mul3A_135 : i32
        %dma_start3A_138 = tpu.memref_slice %arg3[%add3A_137] : memref<640000xi32, #tpu.memory_space<hbm>> -> memref<128xi32, #tpu.memory_space<hbm>>
        %dma_start3A_139 = tpu.memref_slice %arg3[%add3A_137] : memref<640000xi32, #tpu.memory_space<hbm>> -> memref<128xi32, #tpu.memory_space<hbm>>
        tpu.enqueue_dma source(%dma_start3A_139 : memref<128xi32, #tpu.memory_space<hbm>>) target(%arg7 : memref<128xi32, #tpu.memory_space<vmem>>) target_semaphore(%arg13 : memref<!tpu.dma_semaphore, #tpu.memory_space<semaphore_mem>>)
      } else {
      }
      %dma_wait3A_115 = arith.constant 0 : i32
      %dma_wait3A_116 = arith.constant 0 : i32
      %dma_wait3A_117 = tpu.memref_slice %arg2[%dma_wait3A_115, %dma_wait3A_116] : memref<10000x128xf32, #tpu.memory_space<hbm>> -> memref<10000x128xf32, #tpu.memory_space<hbm>>
      tpu.wait_indirect_dma semaphore(%arg16 : memref<!tpu.dma_semaphore, #tpu.memory_space<semaphore_mem>>) src(%dma_wait3A_117 : memref<10000x128xf32, #tpu.memory_space<hbm>>) dst(%arg11 : memref<128x128xf32, #tpu.memory_space<vmem>>)
      "tpu.region"() ({
        %run_scoped3A = tpu.sem_alloc : memref<!tpu.dma_semaphore, #tpu.memory_space<semaphore_mem>>
        %dma_start3A_124 = arith.constant 0 : i32
        %dma_start3A_125 = arith.constant 0 : i32
        %dma_start3A_126 = tpu.memref_slice %arg12[%dma_start3A_124, %dma_start3A_125] : memref<10112x128xf32, #tpu.memory_space<vmem_shared>> -> memref<10112x128xf32, #tpu.memory_space<vmem_shared>>
        tpu.enqueue_indirect_dma source(%arg11 : memref<128x128xf32, #tpu.memory_space<vmem>>) target(%dma_start3A_126 : memref<10112x128xf32, #tpu.memory_space<vmem_shared>>) offsets(%arg9 : memref<128xi32, #tpu.memory_space<vmem>>) semaphore(%run_scoped3A : memref<!tpu.dma_semaphore, #tpu.memory_space<semaphore_mem>>) {add = true}
        %dma_wait3A_127 = arith.constant 0 : i32
        %dma_wait3A_128 = arith.constant 0 : i32
        %dma_wait3A_129 = tpu.memref_slice %arg12[%dma_wait3A_127, %dma_wait3A_128] : memref<10112x128xf32, #tpu.memory_space<vmem_shared>> -> memref<10112x128xf32, #tpu.memory_space<vmem_shared>>
        tpu.wait_indirect_dma semaphore(%run_scoped3A : memref<!tpu.dma_semaphore, #tpu.memory_space<semaphore_mem>>) src(%arg11 : memref<128x128xf32, #tpu.memory_space<vmem>>) dst(%dma_wait3A_129 : memref<10112x128xf32, #tpu.memory_space<vmem_shared>>)
        tpu.yield
      }) : () -> ()
      %add3A_118 = arith.constant 3 : i32
      %add3A_119 = arith.addi %mul3A_74, %add3A_118 : i32
      %lt3A_120 = arith.cmpi slt, %add3A_119, %min3A : i32
      %convert_element_type3A_121 = arith.extui %lt3A_120 : i1 to i32
      %cond3A_122 = arith.constant 0 : i32
      %cond3A_123 = arith.cmpi ne, %convert_element_type3A_121, %cond3A_122 : i32
      scf.if %cond3A_123 {
        %add3A_124 = arith.addi %select_n3A_6, %mul3A_74 : i32
        %add3A_125 = arith.constant 3 : i32
        %add3A_126 = arith.addi %add3A_124, %add3A_125 : i32
        %mul3A_127 = arith.constant 128 : i32
        %mul3A_128 = arith.muli %add3A_126, %mul3A_127 : i32
        %dma_start3A_129 = tpu.memref_slice %arg3[%mul3A_128] : memref<640000xi32, #tpu.memory_space<hbm>> -> memref<128xi32, #tpu.memory_space<hbm>>
        %dma_start3A_130 = tpu.memref_slice %arg3[%mul3A_128] : memref<640000xi32, #tpu.memory_space<hbm>> -> memref<128xi32, #tpu.memory_space<hbm>>
        tpu.enqueue_dma source(%dma_start3A_130 : memref<128xi32, #tpu.memory_space<hbm>>) target(%arg8 : memref<128xi32, #tpu.memory_space<vmem>>) target_semaphore(%arg14 : memref<!tpu.dma_semaphore, #tpu.memory_space<semaphore_mem>>)
        %add3A_131 = arith.addi %select_n3A_6, %mul3A_74 : i32
        %add3A_132 = arith.constant 3 : i32
        %add3A_133 = arith.addi %add3A_131, %add3A_132 : i32
        %mul3A_134 = arith.constant 128 : i32
        %mul3A_135 = arith.muli %add3A_133, %mul3A_134 : i32
        %add3A_136 = arith.constant 320000 : i32
        %add3A_137 = arith.addi %add3A_136, %mul3A_135 : i32
        %dma_start3A_138 = tpu.memref_slice %arg3[%add3A_137] : memref<640000xi32, #tpu.memory_space<hbm>> -> memref<128xi32, #tpu.memory_space<hbm>>
        %dma_start3A_139 = tpu.memref_slice %arg3[%add3A_137] : memref<640000xi32, #tpu.memory_space<hbm>> -> memref<128xi32, #tpu.memory_space<hbm>>
        tpu.enqueue_dma source(%dma_start3A_139 : memref<128xi32, #tpu.memory_space<hbm>>) target(%arg9 : memref<128xi32, #tpu.memory_space<vmem>>) target_semaphore(%arg14 : memref<!tpu.dma_semaphore, #tpu.memory_space<semaphore_mem>>)
      } else {
      }
    }
    %barrier3A_64 = arith.constant 0 : index
    tpu.barrier barrier_id(%barrier3A_64)
    %convert_element_type3A_65 = arith.extui %eq3A_0 : i1 to i32
    %cond3A_66 = arith.constant 0 : i32
    %cond3A_67 = arith.cmpi ne, %convert_element_type3A_65, %cond3A_66 : i32
    scf.if %cond3A_67 {
      %mul3A_72 = arith.constant 624 : i32
      %mul3A_73 = arith.muli %arg1, %mul3A_72 : i32
      %mul3A_74 = arith.constant 624 : i32
      %mul3A_75 = arith.muli %arg1, %mul3A_74 : i32
      "tpu.region"() ({
        %run_scoped3A = tpu.sem_alloc : memref<!tpu.dma_semaphore, #tpu.memory_space<semaphore_mem>>
        %dma_start3A = arith.constant 0 : i32
        %dma_start3A_81 = tpu.memref_slice %arg4[%mul3A_75, %dma_start3A] : memref<10000x128xf32, #tpu.memory_space<hbm>> -> memref<624x128xf32, #tpu.memory_space<hbm>>
        %dma_start3A_82 = arith.constant 0 : i32
        %dma_start3A_83 = tpu.memref_slice %arg12[%mul3A_73, %dma_start3A_82] : memref<10112x128xf32, #tpu.memory_space<vmem_shared>> -> memref<624x128xf32, #tpu.memory_space<vmem_shared>>
        tpu.enqueue_dma source(%dma_start3A_83 : memref<624x128xf32, #tpu.memory_space<vmem_shared>>) target(%dma_start3A_81 : memref<624x128xf32, #tpu.memory_space<hbm>>) target_semaphore(%run_scoped3A : memref<!tpu.dma_semaphore, #tpu.memory_space<semaphore_mem>>)
        %dma_wait3A = arith.constant 0 : i32
        %dma_wait3A_84 = tpu.memref_slice %arg4[%mul3A_75, %dma_wait3A] : memref<10000x128xf32, #tpu.memory_space<hbm>> -> memref<624x128xf32, #tpu.memory_space<hbm>>
        %dma_wait3A_85 = arith.constant 0 : i32
        %dma_wait3A_86 = tpu.memref_slice %arg12[%mul3A_73, %dma_wait3A_85] : memref<10112x128xf32, #tpu.memory_space<vmem_shared>> -> memref<624x128xf32, #tpu.memory_space<vmem_shared>>
        tpu.wait_dma2 semaphore(%run_scoped3A : memref<!tpu.dma_semaphore, #tpu.memory_space<semaphore_mem>>) src(%dma_wait3A_86 : memref<624x128xf32, #tpu.memory_space<vmem_shared>>) dst(%dma_wait3A_84 : memref<624x128xf32, #tpu.memory_space<hbm>>)
        tpu.yield
      }) : () -> ()
      %eq3A_76 = arith.constant 0 : i32
      %eq3A_77 = arith.cmpi eq, %arg1, %eq3A_76 : i32
      %convert_element_type3A_78 = arith.extui %eq3A_77 : i1 to i32
      %cond3A_79 = arith.constant 0 : i32
      %cond3A_80 = arith.cmpi ne, %convert_element_type3A_78, %cond3A_79 : i32
      scf.if %cond3A_80 {
        "tpu.region"() ({
          %run_scoped3A = tpu.sem_alloc : memref<!tpu.dma_semaphore, #tpu.memory_space<semaphore_mem>>
          %dma_start3A = arith.constant 9984 : i32
          %dma_start3A_81 = arith.constant 0 : i32
          %dma_start3A_82 = tpu.memref_slice %arg4[%dma_start3A, %dma_start3A_81] : memref<10000x128xf32, #tpu.memory_space<hbm>> -> memref<16x128xf32, #tpu.memory_space<hbm>>
          %dma_start3A_83 = arith.constant 9984 : i32
          %dma_start3A_84 = arith.constant 0 : i32
          %dma_start3A_85 = tpu.memref_slice %arg12[%dma_start3A_83, %dma_start3A_84] : memref<10112x128xf32, #tpu.memory_space<vmem_shared>> -> memref<16x128xf32, #tpu.memory_space<vmem_shared>>
          tpu.enqueue_dma source(%dma_start3A_85 : memref<16x128xf32, #tpu.memory_space<vmem_shared>>) target(%dma_start3A_82 : memref<16x128xf32, #tpu.memory_space<hbm>>) target_semaphore(%run_scoped3A : memref<!tpu.dma_semaphore, #tpu.memory_space<semaphore_mem>>)
          %dma_wait3A = arith.constant 9984 : i32
          %dma_wait3A_86 = arith.constant 0 : i32
          %dma_wait3A_87 = tpu.memref_slice %arg4[%dma_wait3A, %dma_wait3A_86] : memref<10000x128xf32, #tpu.memory_space<hbm>> -> memref<16x128xf32, #tpu.memory_space<hbm>>
          %dma_wait3A_88 = arith.constant 9984 : i32
          %dma_wait3A_89 = arith.constant 0 : i32
          %dma_wait3A_90 = tpu.memref_slice %arg12[%dma_wait3A_88, %dma_wait3A_89] : memref<10112x128xf32, #tpu.memory_space<vmem_shared>> -> memref<16x128xf32, #tpu.memory_space<vmem_shared>>
          tpu.wait_dma2 semaphore(%run_scoped3A : memref<!tpu.dma_semaphore, #tpu.memory_space<semaphore_mem>>) src(%dma_wait3A_90 : memref<16x128xf32, #tpu.memory_space<vmem_shared>>) dst(%dma_wait3A_87 : memref<16x128xf32, #tpu.memory_space<hbm>>)
          tpu.yield
        }) : () -> ()
      } else {
      }
    } else {
    }
    %not3A = arith.constant true
    %not3A_68 = arith.xori %eq3A_0, %not3A : i1
    %convert_element_type3A_69 = arith.extui %not3A_68 : i1 to i32
    %cond3A_70 = arith.constant 0 : i32
    %cond3A_71 = arith.cmpi ne, %convert_element_type3A_69, %cond3A_70 : i32
    scf.if %cond3A_71 {
      %mul3A_72 = arith.constant 624 : i32
      %mul3A_73 = arith.muli %arg1, %mul3A_72 : i32
      %mul3A_74 = arith.constant 624 : i32
      %mul3A_75 = arith.muli %arg1, %mul3A_74 : i32
      "tpu.region"() ({
        %run_scoped3A = tpu.sem_alloc : memref<!tpu.dma_semaphore, #tpu.memory_space<semaphore_mem>>
        %dma_start3A = arith.constant 0 : i32
        %dma_start3A_81 = tpu.memref_slice %arg5[%mul3A_75, %dma_start3A] : memref<10000x128xf32, #tpu.memory_space<hbm>> -> memref<624x128xf32, #tpu.memory_space<hbm>>
        %dma_start3A_82 = arith.constant 0 : i32
        %dma_start3A_83 = tpu.memref_slice %arg12[%mul3A_73, %dma_start3A_82] : memref<10112x128xf32, #tpu.memory_space<vmem_shared>> -> memref<624x128xf32, #tpu.memory_space<vmem_shared>>
        tpu.enqueue_dma source(%dma_start3A_83 : memref<624x128xf32, #tpu.memory_space<vmem_shared>>) target(%dma_start3A_81 : memref<624x128xf32, #tpu.memory_space<hbm>>) target_semaphore(%run_scoped3A : memref<!tpu.dma_semaphore, #tpu.memory_space<semaphore_mem>>)
        %dma_wait3A = arith.constant 0 : i32
        %dma_wait3A_84 = tpu.memref_slice %arg5[%mul3A_75, %dma_wait3A] : memref<10000x128xf32, #tpu.memory_space<hbm>> -> memref<624x128xf32, #tpu.memory_space<hbm>>
        %dma_wait3A_85 = arith.constant 0 : i32
        %dma_wait3A_86 = tpu.memref_slice %arg12[%mul3A_73, %dma_wait3A_85] : memref<10112x128xf32, #tpu.memory_space<vmem_shared>> -> memref<624x128xf32, #tpu.memory_space<vmem_shared>>
        tpu.wait_dma2 semaphore(%run_scoped3A : memref<!tpu.dma_semaphore, #tpu.memory_space<semaphore_mem>>) src(%dma_wait3A_86 : memref<624x128xf32, #tpu.memory_space<vmem_shared>>) dst(%dma_wait3A_84 : memref<624x128xf32, #tpu.memory_space<hbm>>)
        tpu.yield
      }) : () -> ()
      %eq3A_76 = arith.constant 0 : i32
      %eq3A_77 = arith.cmpi eq, %arg1, %eq3A_76 : i32
      %convert_element_type3A_78 = arith.extui %eq3A_77 : i1 to i32
      %cond3A_79 = arith.constant 0 : i32
      %cond3A_80 = arith.cmpi ne, %convert_element_type3A_78, %cond3A_79 : i32
      scf.if %cond3A_80 {
        "tpu.region"() ({
          %run_scoped3A = tpu.sem_alloc : memref<!tpu.dma_semaphore, #tpu.memory_space<semaphore_mem>>
          %dma_start3A = arith.constant 9984 : i32
          %dma_start3A_81 = arith.constant 0 : i32
          %dma_start3A_82 = tpu.memref_slice %arg5[%dma_start3A, %dma_start3A_81] : memref<10000x128xf32, #tpu.memory_space<hbm>> -> memref<16x128xf32, #tpu.memory_space<hbm>>
          %dma_start3A_83 = arith.constant 9984 : i32
          %dma_start3A_84 = arith.constant 0 : i32
          %dma_start3A_85 = tpu.memref_slice %arg12[%dma_start3A_83, %dma_start3A_84] : memref<10112x128xf32, #tpu.memory_space<vmem_shared>> -> memref<16x128xf32, #tpu.memory_space<vmem_shared>>
          tpu.enqueue_dma source(%dma_start3A_85 : memref<16x128xf32, #tpu.memory_space<vmem_shared>>) target(%dma_start3A_82 : memref<16x128xf32, #tpu.memory_space<hbm>>) target_semaphore(%run_scoped3A : memref<!tpu.dma_semaphore, #tpu.memory_space<semaphore_mem>>)
          %dma_wait3A = arith.constant 9984 : i32
          %dma_wait3A_86 = arith.constant 0 : i32
          %dma_wait3A_87 = tpu.memref_slice %arg5[%dma_wait3A, %dma_wait3A_86] : memref<10000x128xf32, #tpu.memory_space<hbm>> -> memref<16x128xf32, #tpu.memory_space<hbm>>
          %dma_wait3A_88 = arith.constant 9984 : i32
          %dma_wait3A_89 = arith.constant 0 : i32
          %dma_wait3A_90 = tpu.memref_slice %arg12[%dma_wait3A_88, %dma_wait3A_89] : memref<10112x128xf32, #tpu.memory_space<vmem_shared>> -> memref<16x128xf32, #tpu.memory_space<vmem_shared>>
          tpu.wait_dma2 semaphore(%run_scoped3A : memref<!tpu.dma_semaphore, #tpu.memory_space<semaphore_mem>>) src(%dma_wait3A_90 : memref<16x128xf32, #tpu.memory_space<vmem_shared>>) dst(%dma_wait3A_87 : memref<16x128xf32, #tpu.memory_space<hbm>>)
          tpu.yield
        }) : () -> ()
      } else {
      }
    } else {
    }
    return
  }
}

#map = affine_map<(d0, d1) -> (0, 0)>
#map1 = affine_map<(d0, d1) -> (0)>
module attributes {stable_mosaic.version = 14 : i64} {
  func.func @_sc_segment_sum(%arg0: i32, %arg1: i32, %arg2: memref<10000x128xf32, #tpu.memory_space<hbm>>, %arg3: memref<640000xi32, #tpu.memory_space<hbm>>, %arg4: memref<10000x128xf32, #tpu.memory_space<hbm>>, %arg5: memref<10000x128xf32, #tpu.memory_space<hbm>>, %arg6: memref<128xi32, #tpu.memory_space<vmem>>, %arg7: memref<128xi32, #tpu.memory_space<vmem>>, %arg8: memref<128xi32, #tpu.memory_space<vmem>>, %arg9: memref<128xi32, #tpu.memory_space<vmem>>, %arg10: memref<128x128xf32, #tpu.memory_space<vmem>>, %arg11: memref<128x128xf32, #tpu.memory_space<vmem>>, %arg12: memref<10112x128xf32, #tpu.memory_space<vmem_shared>>, %arg13: memref<!tpu.dma_semaphore, #tpu.memory_space<semaphore_mem>>, %arg14: memref<!tpu.dma_semaphore, #tpu.memory_space<semaphore_mem>>, %arg15: memref<!tpu.dma_semaphore, #tpu.memory_space<semaphore_mem>>, %arg16: memref<!tpu.dma_semaphore, #tpu.memory_space<semaphore_mem>>) attributes {dimension_semantics = [#tpu.dimension_semantics<core_parallel>, #tpu.dimension_semantics<subcore_parallel>], iteration_bounds = array<i64: 2, 16>, scalar_prefetch = 0 : i64, scratch_operands = 11 : i64, tpu.core_type = #tpu.core_type<sc_vector_subcore>, window_params = [{transform_indices = #map}, {transform_indices = #map1}, {transform_indices = #map}, {transform_indices = #map}]} {
    %eq3A = arith.constant 0 : i32
    %eq3A_0 = arith.cmpi eq, %arg0, %eq3A : i32
    %jit3A = arith.constant 78 : i32
    %jit3A_1 = arith.constant 80 : i32
    %select_n3A = arith.select %eq3A_0, %jit3A, %jit3A_1 : i32
    %mul3A = arith.constant 78 : i32
    %mul3A_2 = arith.muli %arg1, %mul3A : i32
    %mul3A_3 = arith.constant 80 : i32
    %mul3A_4 = arith.muli %arg1, %mul3A_3 : i32
    %add3A = arith.constant 1248 : i32
    %add3A_5 = arith.addi %add3A, %mul3A_4 : i32
    %select_n3A_6 = arith.select %eq3A_0, %mul3A_2, %add3A_5 : i32
    %sub3A = arith.constant 2500 : i32
    %sub3A_7 = arith.subi %sub3A, %select_n3A_6 : i32
    %max3A = arith.constant 0 : i32
    %max3A_8 = arith.maxsi %sub3A_7, %max3A : i32
    %min3A = arith.minsi %select_n3A, %max3A_8 : i32
    %scan3A = arith.constant 0 : i32
    %scan3A_9 = arith.constant 0 : i32
    %scan3A_10 = arith.constant 128 : i32
    %scan3A_11 = arith.addi %scan3A_9, %scan3A_10 : i32
    %scan3A_12 = arith.constant 1 : i32
    scf.for %scan3A_72 = %scan3A_9 to %scan3A_11 step %scan3A_12  : i32 {
      %broadcast_in_dim3A = arith.constant 0.000000e+00 : f32
      %broadcast_in_dim3A_73 = vector.broadcast %broadcast_in_dim3A : f32 to vector<16xf32>
      %swap3A = arith.index_cast %scan3A_72 : i32 to index
      %swap3A_74 = arith.constant 0 : index
      %swap3A_75 = tpu.vector_load %arg10[%swap3A, %swap3A_74] {strides = array<i32>} : memref<128x128xf32, #tpu.memory_space<vmem>>, vector<1x16xf32>,
      %swap3A_76 = vector.shape_cast %swap3A_75 : vector<1x16xf32> to vector<16xf32>
      %swap3A_77 = vector.shape_cast %broadcast_in_dim3A_73 : vector<16xf32> to vector<1x16xf32>
      tpu.vector_store %arg10[%swap3A, %swap3A_74], %swap3A_77 {strides = array<i32>} : memref<128x128xf32, #tpu.memory_space<vmem>>, vector<1x16xf32>,
      %broadcast_in_dim3A_78 = arith.constant 0.000000e+00 : f32
      %broadcast_in_dim3A_79 = vector.broadcast %broadcast_in_dim3A_78 : f32 to vector<16xf32>
      %swap3A_80 = arith.index_cast %scan3A_72 : i32 to index
      %swap3A_81 = arith.constant 16 : index
      %swap3A_82 = tpu.vector_load %arg10[%swap3A_80, %swap3A_81] {strides = array<i32>} : memref<128x128xf32, #tpu.memory_space<vmem>>, vector<1x16xf32>,
      %swap3A_83 = vector.shape_cast %swap3A_82 : vector<1x16xf32> to vector<16xf32>
      %swap3A_84 = vector.shape_cast %broadcast_in_dim3A_79 : vector<16xf32> to vector<1x16xf32>
      tpu.vector_store %arg10[%swap3A_80, %swap3A_81], %swap3A_84 {strides = array<i32>} : memref<128x128xf32, #tpu.memory_space<vmem>>, vector<1x16xf32>,
      %broadcast_in_dim3A_85 = arith.constant 0.000000e+00 : f32
      %broadcast_in_dim3A_86 = vector.broadcast %broadcast_in_dim3A_85 : f32 to vector<16xf32>
      %swap3A_87 = arith.index_cast %scan3A_72 : i32 to index
      %swap3A_88 = arith.constant 32 : index
      %swap3A_89 = tpu.vector_load %arg10[%swap3A_87, %swap3A_88] {strides = array<i32>} : memref<128x128xf32, #tpu.memory_space<vmem>>, vector<1x16xf32>,
      %swap3A_90 = vector.shape_cast %swap3A_89 : vector<1x16xf32> to vector<16xf32>
      %swap3A_91 = vector.shape_cast %broadcast_in_dim3A_86 : vector<16xf32> to vector<1x16xf32>
      tpu.vector_store %arg10[%swap3A_87, %swap3A_88], %swap3A_91 {strides = array<i32>} : memref<128x128xf32, #tpu.memory_space<vmem>>, vector<1x16xf32>,
      %broadcast_in_dim3A_92 = arith.constant 0.000000e+00 : f32
      %broadcast_in_dim3A_93 = vector.broadcast %broadcast_in_dim3A_92 : f32 to vector<16xf32>
      %swap3A_94 = arith.index_cast %scan3A_72 : i32 to index
      %swap3A_95 = arith.constant 48 : index
      %swap3A_96 = tpu.vector_load %arg10[%swap3A_94, %swap3A_95] {strides = array<i32>} : memref<128x128xf32, #tpu.memory_space<vmem>>, vector<1x16xf32>,
      %swap3A_97 = vector.shape_cast %swap3A_96 : vector<1x16xf32> to vector<16xf32>
      %swap3A_98 = vector.shape_cast %broadcast_in_dim3A_93 : vector<16xf32> to vector<1x16xf32>
      tpu.vector_store %arg10[%swap3A_94, %swap3A_95], %swap3A_98 {strides = array<i32>} : memref<128x128xf32, #tpu.memory_space<vmem>>, vector<1x16xf32>,
      %broadcast_in_dim3A_99 = arith.constant 0.000000e+00 : f32
      %broadcast_in_dim3A_100 = vector.broadcast %broadcast_in_dim3A_99 : f32 to vector<16xf32>
      %swap3A_101 = arith.index_cast %scan3A_72 : i32 to index
      %swap3A_102 = arith.constant 64 : index
      %swap3A_103 = tpu.vector_load %arg10[%swap3A_101, %swap3A_102] {strides = array<i32>} : memref<128x128xf32, #tpu.memory_space<vmem>>, vector<1x16xf32>,
      %swap3A_104 = vector.shape_cast %swap3A_103 : vector<1x16xf32> to vector<16xf32>
      %swap3A_105 = vector.shape_cast %broadcast_in_dim3A_100 : vector<16xf32> to vector<1x16xf32>
      tpu.vector_store %arg10[%swap3A_101, %swap3A_102], %swap3A_105 {strides = array<i32>} : memref<128x128xf32, #tpu.memory_space<vmem>>, vector<1x16xf32>,
      %broadcast_in_dim3A_106 = arith.constant 0.000000e+00 : f32
      %broadcast_in_dim3A_107 = vector.broadcast %broadcast_in_dim3A_106 : f32 to vector<16xf32>
      %swap3A_108 = arith.index_cast %scan3A_72 : i32 to index
      %swap3A_109 = arith.constant 80 : index
      %swap3A_110 = tpu.vector_load %arg10[%swap3A_108, %swap3A_109] {strides = array<i32>} : memref<128x128xf32, #tpu.memory_space<vmem>>, vector<1x16xf32>,
      %swap3A_111 = vector.shape_cast %swap3A_110 : vector<1x16xf32> to vector<16xf32>
      %swap3A_112 = vector.shape_cast %broadcast_in_dim3A_107 : vector<16xf32> to vector<1x16xf32>
      tpu.vector_store %arg10[%swap3A_108, %swap3A_109], %swap3A_112 {strides = array<i32>} : memref<128x128xf32, #tpu.memory_space<vmem>>, vector<1x16xf32>,
      %broadcast_in_dim3A_113 = arith.constant 0.000000e+00 : f32
      %broadcast_in_dim3A_114 = vector.broadcast %broadcast_in_dim3A_113 : f32 to vector<16xf32>
      %swap3A_115 = arith.index_cast %scan3A_72 : i32 to index
      %swap3A_116 = arith.constant 96 : index
      %swap3A_117 = tpu.vector_load %arg10[%swap3A_115, %swap3A_116] {strides = array<i32>} : memref<128x128xf32, #tpu.memory_space<vmem>>, vector<1x16xf32>,
      %swap3A_118 = vector.shape_cast %swap3A_117 : vector<1x16xf32> to vector<16xf32>
      %swap3A_119 = vector.shape_cast %broadcast_in_dim3A_114 : vector<16xf32> to vector<1x16xf32>
      tpu.vector_store %arg10[%swap3A_115, %swap3A_116], %swap3A_119 {strides = array<i32>} : memref<128x128xf32, #tpu.memory_space<vmem>>, vector<1x16xf32>,
      %broadcast_in_dim3A_120 = arith.constant 0.000000e+00 : f32
      %broadcast_in_dim3A_121 = vector.broadcast %broadcast_in_dim3A_120 : f32 to vector<16xf32>
      %swap3A_122 = arith.index_cast %scan3A_72 : i32 to index
      %swap3A_123 = arith.constant 112 : index
      %swap3A_124 = tpu.vector_load %arg10[%swap3A_122, %swap3A_123] {strides = array<i32>} : memref<128x128xf32, #tpu.memory_space<vmem>>, vector<1x16xf32>,
      %swap3A_125 = vector.shape_cast %swap3A_124 : vector<1x16xf32> to vector<16xf32>
      %swap3A_126 = vector.shape_cast %broadcast_in_dim3A_121 : vector<16xf32> to vector<1x16xf32>
      tpu.vector_store %arg10[%swap3A_122, %swap3A_123], %swap3A_126 {strides = array<i32>} : memref<128x128xf32, #tpu.memory_space<vmem>>, vector<1x16xf32>,
    }
    %scan3A_13 = arith.constant 128 : i32
    %mul3A_14 = arith.constant 632 : i32
    %mul3A_15 = arith.muli %arg1, %mul3A_14 : i32
    %add3A_16 = arith.constant 0 : i32
    %add3A_17 = arith.addi %mul3A_15, %add3A_16 : i32
    "tpu.region"() ({
      %run_scoped3A = tpu.sem_alloc : memref<!tpu.dma_semaphore, #tpu.memory_space<semaphore_mem>>
      %dma_start3A = arith.constant 0 : i32
      %dma_start3A_72 = tpu.memref_slice %arg12[%add3A_17, %dma_start3A] : memref<10112x128xf32, #tpu.memory_space<vmem_shared>> -> memref<128x128xf32, #tpu.memory_space<vmem_shared>>
      %dma_start3A_73 = arith.constant 0 : i32
      %dma_start3A_74 = tpu.memref_slice %arg12[%add3A_17, %dma_start3A_73] : memref<10112x128xf32, #tpu.memory_space<vmem_shared>> -> memref<128x128xf32, #tpu.memory_space<vmem_shared>>
      tpu.enqueue_dma source(%arg10 : memref<128x128xf32, #tpu.memory_space<vmem>>) target(%dma_start3A_74 : memref<128x128xf32, #tpu.memory_space<vmem_shared>>) target_semaphore(%run_scoped3A : memref<!tpu.dma_semaphore, #tpu.memory_space<semaphore_mem>>)
      %dma_wait3A = arith.constant 0 : i32
      %dma_wait3A_75 = tpu.memref_slice %arg12[%add3A_17, %dma_wait3A] : memref<10112x128xf32, #tpu.memory_space<vmem_shared>> -> memref<128x128xf32, #tpu.memory_space<vmem_shared>>
      %dma_wait3A_76 = arith.constant 0 : i32
      %dma_wait3A_77 = tpu.memref_slice %arg12[%add3A_17, %dma_wait3A_76] : memref<10112x128xf32, #tpu.memory_space<vmem_shared>> -> memref<128x128xf32, #tpu.memory_space<vmem_shared>>
      tpu.wait_dma2 semaphore(%run_scoped3A : memref<!tpu.dma_semaphore, #tpu.memory_space<semaphore_mem>>) src(%arg10 : memref<128x128xf32, #tpu.memory_space<vmem>>) dst(%dma_wait3A_77 : memref<128x128xf32, #tpu.memory_space<vmem_shared>>)
      tpu.yield
    }) : () -> ()
    %mul3A_18 = arith.constant 632 : i32
    %mul3A_19 = arith.muli %arg1, %mul3A_18 : i32
    %add3A_20 = arith.constant 128 : i32
    %add3A_21 = arith.addi %mul3A_19, %add3A_20 : i32
    "tpu.region"() ({
      %run_scoped3A = tpu.sem_alloc : memref<!tpu.dma_semaphore, #tpu.memory_space<semaphore_mem>>
      %dma_start3A = arith.constant 0 : i32
      %dma_start3A_72 = tpu.memref_slice %arg12[%add3A_21, %dma_start3A] : memref<10112x128xf32, #tpu.memory_space<vmem_shared>> -> memref<128x128xf32, #tpu.memory_space<vmem_shared>>
      %dma_start3A_73 = arith.constant 0 : i32
      %dma_start3A_74 = tpu.memref_slice %arg12[%add3A_21, %dma_start3A_73] : memref<10112x128xf32, #tpu.memory_space<vmem_shared>> -> memref<128x128xf32, #tpu.memory_space<vmem_shared>>
      tpu.enqueue_dma source(%arg10 : memref<128x128xf32, #tpu.memory_space<vmem>>) target(%dma_start3A_74 : memref<128x128xf32, #tpu.memory_space<vmem_shared>>) target_semaphore(%run_scoped3A : memref<!tpu.dma_semaphore, #tpu.memory_space<semaphore_mem>>)
      %dma_wait3A = arith.constant 0 : i32
      %dma_wait3A_75 = tpu.memref_slice %arg12[%add3A_21, %dma_wait3A] : memref<10112x128xf32, #tpu.memory_space<vmem_shared>> -> memref<128x128xf32, #tpu.memory_space<vmem_shared>>
      %dma_wait3A_76 = arith.constant 0 : i32
      %dma_wait3A_77 = tpu.memref_slice %arg12[%add3A_21, %dma_wait3A_76] : memref<10112x128xf32, #tpu.memory_space<vmem_shared>> -> memref<128x128xf32, #tpu.memory_space<vmem_shared>>
      tpu.wait_dma2 semaphore(%run_scoped3A : memref<!tpu.dma_semaphore, #tpu.memory_space<semaphore_mem>>) src(%arg10 : memref<128x128xf32, #tpu.memory_space<vmem>>) dst(%dma_wait3A_77 : memref<128x128xf32, #tpu.memory_space<vmem_shared>>)
      tpu.yield
    }) : () -> ()
    %mul3A_22 = arith.constant 632 : i32
    %mul3A_23 = arith.muli %arg1, %mul3A_22 : i32
    %add3A_24 = arith.constant 256 : i32
    %add3A_25 = arith.addi %mul3A_23, %add3A_24 : i32
    "tpu.region"() ({
      %run_scoped3A = tpu.sem_alloc : memref<!tpu.dma_semaphore, #tpu.memory_space<semaphore_mem>>
      %dma_start3A = arith.constant 0 : i32
      %dma_start3A_72 = tpu.memref_slice %arg12[%add3A_25, %dma_start3A] : memref<10112x128xf32, #tpu.memory_space<vmem_shared>> -> memref<128x128xf32, #tpu.memory_space<vmem_shared>>
      %dma_start3A_73 = arith.constant 0 : i32
      %dma_start3A_74 = tpu.memref_slice %arg12[%add3A_25, %dma_start3A_73] : memref<10112x128xf32, #tpu.memory_space<vmem_shared>> -> memref<128x128xf32, #tpu.memory_space<vmem_shared>>
      tpu.enqueue_dma source(%arg10 : memref<128x128xf32, #tpu.memory_space<vmem>>) target(%dma_start3A_74 : memref<128x128xf32, #tpu.memory_space<vmem_shared>>) target_semaphore(%run_scoped3A : memref<!tpu.dma_semaphore, #tpu.memory_space<semaphore_mem>>)
      %dma_wait3A = arith.constant 0 : i32
      %dma_wait3A_75 = tpu.memref_slice %arg12[%add3A_25, %dma_wait3A] : memref<10112x128xf32, #tpu.memory_space<vmem_shared>> -> memref<128x128xf32, #tpu.memory_space<vmem_shared>>
      %dma_wait3A_76 = arith.constant 0 : i32
      %dma_wait3A_77 = tpu.memref_slice %arg12[%add3A_25, %dma_wait3A_76] : memref<10112x128xf32, #tpu.memory_space<vmem_shared>> -> memref<128x128xf32, #tpu.memory_space<vmem_shared>>
      tpu.wait_dma2 semaphore(%run_scoped3A : memref<!tpu.dma_semaphore, #tpu.memory_space<semaphore_mem>>) src(%arg10 : memref<128x128xf32, #tpu.memory_space<vmem>>) dst(%dma_wait3A_77 : memref<128x128xf32, #tpu.memory_space<vmem_shared>>)
      tpu.yield
    }) : () -> ()
    %mul3A_26 = arith.constant 632 : i32
    %mul3A_27 = arith.muli %arg1, %mul3A_26 : i32
    %add3A_28 = arith.constant 384 : i32
    %add3A_29 = arith.addi %mul3A_27, %add3A_28 : i32
    "tpu.region"() ({
      %run_scoped3A = tpu.sem_alloc : memref<!tpu.dma_semaphore, #tpu.memory_space<semaphore_mem>>
      %dma_start3A = arith.constant 0 : i32
      %dma_start3A_72 = tpu.memref_slice %arg12[%add3A_29, %dma_start3A] : memref<10112x128xf32, #tpu.memory_space<vmem_shared>> -> memref<128x128xf32, #tpu.memory_space<vmem_shared>>
      %dma_start3A_73 = arith.constant 0 : i32
      %dma_start3A_74 = tpu.memref_slice %arg12[%add3A_29, %dma_start3A_73] : memref<10112x128xf32, #tpu.memory_space<vmem_shared>> -> memref<128x128xf32, #tpu.memory_space<vmem_shared>>
      tpu.enqueue_dma source(%arg10 : memref<128x128xf32, #tpu.memory_space<vmem>>) target(%dma_start3A_74 : memref<128x128xf32, #tpu.memory_space<vmem_shared>>) target_semaphore(%run_scoped3A : memref<!tpu.dma_semaphore, #tpu.memory_space<semaphore_mem>>)
      %dma_wait3A = arith.constant 0 : i32
      %dma_wait3A_75 = tpu.memref_slice %arg12[%add3A_29, %dma_wait3A] : memref<10112x128xf32, #tpu.memory_space<vmem_shared>> -> memref<128x128xf32, #tpu.memory_space<vmem_shared>>
      %dma_wait3A_76 = arith.constant 0 : i32
      %dma_wait3A_77 = tpu.memref_slice %arg12[%add3A_29, %dma_wait3A_76] : memref<10112x128xf32, #tpu.memory_space<vmem_shared>> -> memref<128x128xf32, #tpu.memory_space<vmem_shared>>
      tpu.wait_dma2 semaphore(%run_scoped3A : memref<!tpu.dma_semaphore, #tpu.memory_space<semaphore_mem>>) src(%arg10 : memref<128x128xf32, #tpu.memory_space<vmem>>) dst(%dma_wait3A_77 : memref<128x128xf32, #tpu.memory_space<vmem_shared>>)
      tpu.yield
    }) : () -> ()
    %mul3A_30 = arith.constant 632 : i32
    %mul3A_31 = arith.muli %arg1, %mul3A_30 : i32
    %add3A_32 = arith.constant 512 : i32
    %add3A_33 = arith.addi %mul3A_31, %add3A_32 : i32
    "tpu.region"() ({
      %run_scoped3A = tpu.sem_alloc : memref<!tpu.dma_semaphore, #tpu.memory_space<semaphore_mem>>
      %dma_start3A = arith.constant 0 : i32
      %dma_start3A_72 = arith.constant 0 : i32
      %dma_start3A_73 = tpu.memref_slice %arg10[%dma_start3A, %dma_start3A_72] : memref<128x128xf32, #tpu.memory_space<vmem>> -> memref<120x128xf32, #tpu.memory_space<vmem>>
      %dma_start3A_74 = arith.constant 0 : i32
      %dma_start3A_75 = tpu.memref_slice %arg12[%add3A_33, %dma_start3A_74] : memref<10112x128xf32, #tpu.memory_space<vmem_shared>> -> memref<120x128xf32, #tpu.memory_space<vmem_shared>>
      %dma_start3A_76 = arith.constant 0 : i32
      %dma_start3A_77 = tpu.memref_slice %arg12[%add3A_33, %dma_start3A_76] : memref<10112x128xf32, #tpu.memory_space<vmem_shared>> -> memref<120x128xf32, #tpu.memory_space<vmem_shared>>
      %dma_start3A_78 = arith.constant 0 : i32
      %dma_start3A_79 = arith.constant 0 : i32
      %dma_start3A_80 = tpu.memref_slice %arg10[%dma_start3A_78, %dma_start3A_79] : memref<128x128xf32, #tpu.memory_space<vmem>> -> memref<120x128xf32, #tpu.memory_space<vmem>>
      tpu.enqueue_dma source(%dma_start3A_80 : memref<120x128xf32, #tpu.memory_space<vmem>>) target(%dma_start3A_77 : memref<120x128xf32, #tpu.memory_space<vmem_shared>>) target_semaphore(%run_scoped3A : memref<!tpu.dma_semaphore, #tpu.memory_space<semaphore_mem>>)
      %dma_wait3A = arith.constant 0 : i32
      %dma_wait3A_81 = arith.constant 0 : i32
      %dma_wait3A_82 = tpu.memref_slice %arg10[%dma_wait3A, %dma_wait3A_81] : memref<128x128xf32, #tpu.memory_space<vmem>> -> memref<120x128xf32, #tpu.memory_space<vmem>>
      %dma_wait3A_83 = arith.constant 0 : i32
      %dma_wait3A_84 = tpu.memref_slice %arg12[%add3A_33, %dma_wait3A_83] : memref<10112x128xf32, #tpu.memory_space<vmem_shared>> -> memref<120x128xf32, #tpu.memory_space<vmem_shared>>
      %dma_wait3A_85 = arith.constant 0 : i32
      %dma_wait3A_86 = tpu.memref_slice %arg12[%add3A_33, %dma_wait3A_85] : memref<10112x128xf32, #tpu.memory_space<vmem_shared>> -> memref<120x128xf32, #tpu.memory_space<vmem_shared>>
      %dma_wait3A_87 = arith.constant 0 : i32
      %dma_wait3A_88 = arith.constant 0 : i32
      %dma_wait3A_89 = tpu.memref_slice %arg10[%dma_wait3A_87, %dma_wait3A_88] : memref<128x128xf32, #tpu.memory_space<vmem>> -> memref<120x128xf32, #tpu.memory_space<vmem>>
      tpu.wait_dma2 semaphore(%run_scoped3A : memref<!tpu.dma_semaphore, #tpu.memory_space<semaphore_mem>>) src(%dma_wait3A_89 : memref<120x128xf32, #tpu.memory_space<vmem>>) dst(%dma_wait3A_86 : memref<120x128xf32, #tpu.memory_space<vmem_shared>>)
      tpu.yield
    }) : () -> ()
    %barrier3A = arith.constant 0 : index
    tpu.barrier barrier_id(%barrier3A)
    %gt3A = arith.constant 0 : i32
    %gt3A_34 = arith.cmpi sgt, %min3A, %gt3A : i32
    %convert_element_type3A = arith.extui %gt3A_34 : i1 to i32
    %cond3A = arith.constant 0 : i32
    %cond3A_35 = arith.cmpi ne, %convert_element_type3A, %cond3A : i32
    scf.if %cond3A_35 {
      %mul3A_72 = arith.constant 128 : i32
      %mul3A_73 = arith.muli %select_n3A_6, %mul3A_72 : i32
      %dma_start3A = tpu.memref_slice %arg3[%mul3A_73] : memref<640000xi32, #tpu.memory_space<hbm>> -> memref<128xi32, #tpu.memory_space<hbm>>
      %dma_start3A_74 = tpu.memref_slice %arg3[%mul3A_73] : memref<640000xi32, #tpu.memory_space<hbm>> -> memref<128xi32, #tpu.memory_space<hbm>>
      tpu.enqueue_dma source(%dma_start3A_74 : memref<128xi32, #tpu.memory_space<hbm>>) target(%arg6 : memref<128xi32, #tpu.memory_space<vmem>>) target_semaphore(%arg13 : memref<!tpu.dma_semaphore, #tpu.memory_space<semaphore_mem>>)
      %mul3A_75 = arith.constant 128 : i32
      %mul3A_76 = arith.muli %select_n3A_6, %mul3A_75 : i32
      %add3A_77 = arith.constant 320000 : i32
      %add3A_78 = arith.addi %add3A_77, %mul3A_76 : i32
      %dma_start3A_79 = tpu.memref_slice %arg3[%add3A_78] : memref<640000xi32, #tpu.memory_space<hbm>> -> memref<128xi32, #tpu.memory_space<hbm>>
      %dma_start3A_80 = tpu.memref_slice %arg3[%add3A_78] : memref<640000xi32, #tpu.memory_space<hbm>> -> memref<128xi32, #tpu.memory_space<hbm>>
      tpu.enqueue_dma source(%dma_start3A_80 : memref<128xi32, #tpu.memory_space<hbm>>) target(%arg7 : memref<128xi32, #tpu.memory_space<vmem>>) target_semaphore(%arg13 : memref<!tpu.dma_semaphore, #tpu.memory_space<semaphore_mem>>)
      %add3A_81 = arith.constant 1 : i32
      %add3A_82 = arith.addi %select_n3A_6, %add3A_81 : i32
      %mul3A_83 = arith.constant 128 : i32
      %mul3A_84 = arith.muli %add3A_82, %mul3A_83 : i32
      %dma_start3A_85 = tpu.memref_slice %arg3[%mul3A_84] : memref<640000xi32, #tpu.memory_space<hbm>> -> memref<128xi32, #tpu.memory_space<hbm>>
      %dma_start3A_86 = tpu.memref_slice %arg3[%mul3A_84] : memref<640000xi32, #tpu.memory_space<hbm>> -> memref<128xi32, #tpu.memory_space<hbm>>
      tpu.enqueue_dma source(%dma_start3A_86 : memref<128xi32, #tpu.memory_space<hbm>>) target(%arg8 : memref<128xi32, #tpu.memory_space<vmem>>) target_semaphore(%arg14 : memref<!tpu.dma_semaphore, #tpu.memory_space<semaphore_mem>>)
      %add3A_87 = arith.constant 1 : i32
      %add3A_88 = arith.addi %select_n3A_6, %add3A_87 : i32
      %mul3A_89 = arith.constant 128 : i32
      %mul3A_90 = arith.muli %add3A_88, %mul3A_89 : i32
      %add3A_91 = arith.constant 320000 : i32
      %add3A_92 = arith.addi %add3A_91, %mul3A_90 : i32
      %dma_start3A_93 = tpu.memref_slice %arg3[%add3A_92] : memref<640000xi32, #tpu.memory_space<hbm>> -> memref<128xi32, #tpu.memory_space<hbm>>
      %dma_start3A_94 = tpu.memref_slice %arg3[%add3A_92] : memref<640000xi32, #tpu.memory_space<hbm>> -> memref<128xi32, #tpu.memory_space<hbm>>
      tpu.enqueue_dma source(%dma_start3A_94 : memref<128xi32, #tpu.memory_space<hbm>>) target(%arg9 : memref<128xi32, #tpu.memory_space<vmem>>) target_semaphore(%arg14 : memref<!tpu.dma_semaphore, #tpu.memory_space<semaphore_mem>>)
    } else {
    }
    %jit3A_36 = arith.constant 2 : i32
    %div3A = arith.divsi %min3A, %jit3A_36 : i32
    %sign3A = arith.constant 0 : i32
    %sign3A_37 = arith.cmpi sgt, %min3A, %sign3A : i32
    %sign3A_38 = arith.extui %sign3A_37 : i1 to i32
    %sign3A_39 = arith.constant 0 : i32
    %sign3A_40 = arith.cmpi slt, %min3A, %sign3A_39 : i32
    %sign3A_41 = arith.extui %sign3A_40 : i1 to i32
    %sign3A_42 = arith.subi %sign3A_38, %sign3A_41 : i32
    %sign3A_43 = arith.constant 0 : i32
    %sign3A_44 = arith.cmpi sgt, %jit3A_36, %sign3A_43 : i32
    %sign3A_45 = arith.extui %sign3A_44 : i1 to i32
    %sign3A_46 = arith.constant 0 : i32
    %sign3A_47 = arith.cmpi slt, %jit3A_36, %sign3A_46 : i32
    %sign3A_48 = arith.extui %sign3A_47 : i1 to i32
    %sign3A_49 = arith.subi %sign3A_45, %sign3A_48 : i32
    %ne3A = arith.cmpi ne, %sign3A_42, %sign3A_49 : i32
    %rem3A = arith.remsi %min3A, %jit3A_36 : i32
    %ne3A_50 = arith.constant 0 : i32
    %ne3A_51 = arith.cmpi ne, %rem3A, %ne3A_50 : i32
    %and3A = arith.andi %ne3A, %ne3A_51 : i1
    %sub3A_52 = arith.constant 1 : i32
    %sub3A_53 = arith.subi %div3A, %sub3A_52 : i32
    %select_n3A_54 = arith.select %and3A, %sub3A_53, %div3A : i32
    %while3A = arith.constant 0 : i32
    %while3A_55 = arith.constant 0 : i32
    %while3A_56 = arith.subi %select_n3A_54, %while3A_55 : i32
    %while3A_57 = arith.addi %while3A_55, %while3A_56 : i32
    %while3A_58 = arith.constant 1 : i32
    %while3A_59 = arith.divsi %while3A_56, %while3A_58 : i32
    %while3A_60 = arith.muli %while3A_59, %while3A_58 : i32
    %while3A_61 = arith.addi %while3A_55, %while3A_60 : i32
    %while3A_62 = arith.constant 1 : i32
    scf.for %while3A_72 = %while3A_55 to %while3A_61 step %while3A_62  : i32 {
      %mul3A_73 = arith.constant 2 : i32
      %mul3A_74 = arith.muli %mul3A_73, %while3A_72 : i32
      %add3A_75 = arith.addi %select_n3A_6, %mul3A_74 : i32
      %mul3A_76 = arith.constant 128 : i32
      %mul3A_77 = arith.muli %add3A_75, %mul3A_76 : i32
      %dma_wait3A = tpu.memref_slice %arg3[%mul3A_77] : memref<640000xi32, #tpu.memory_space<hbm>> -> memref<128xi32, #tpu.memory_space<hbm>>
      %dma_wait3A_78 = tpu.memref_slice %arg3[%mul3A_77] : memref<640000xi32, #tpu.memory_space<hbm>> -> memref<128xi32, #tpu.memory_space<hbm>>
      tpu.wait_dma2 semaphore(%arg13 : memref<!tpu.dma_semaphore, #tpu.memory_space<semaphore_mem>>) src(%dma_wait3A_78 : memref<128xi32, #tpu.memory_space<hbm>>) dst(%arg6 : memref<128xi32, #tpu.memory_space<vmem>>)
      %add3A_79 = arith.addi %select_n3A_6, %mul3A_74 : i32
      %mul3A_80 = arith.constant 128 : i32
      %mul3A_81 = arith.muli %add3A_79, %mul3A_80 : i32
      %add3A_82 = arith.constant 320000 : i32
      %add3A_83 = arith.addi %add3A_82, %mul3A_81 : i32
      %dma_wait3A_84 = tpu.memref_slice %arg3[%add3A_83] : memref<640000xi32, #tpu.memory_space<hbm>> -> memref<128xi32, #tpu.memory_space<hbm>>
      %dma_wait3A_85 = tpu.memref_slice %arg3[%add3A_83] : memref<640000xi32, #tpu.memory_space<hbm>> -> memref<128xi32, #tpu.memory_space<hbm>>
      tpu.wait_dma2 semaphore(%arg13 : memref<!tpu.dma_semaphore, #tpu.memory_space<semaphore_mem>>) src(%dma_wait3A_85 : memref<128xi32, #tpu.memory_space<hbm>>) dst(%arg7 : memref<128xi32, #tpu.memory_space<vmem>>)
      %dma_start3A = arith.constant 0 : i32
      %dma_start3A_86 = arith.constant 0 : i32
      %dma_start3A_87 = tpu.memref_slice %arg2[%dma_start3A, %dma_start3A_86] : memref<10000x128xf32, #tpu.memory_space<hbm>> -> memref<10000x128xf32, #tpu.memory_space<hbm>>
      tpu.enqueue_indirect_dma source(%dma_start3A_87 : memref<10000x128xf32, #tpu.memory_space<hbm>>) target(%arg10 : memref<128x128xf32, #tpu.memory_space<vmem>>) offsets(%arg6 : memref<128xi32, #tpu.memory_space<vmem>>) semaphore(%arg15 : memref<!tpu.dma_semaphore, #tpu.memory_space<semaphore_mem>>)
      %add3A_88 = arith.addi %select_n3A_6, %mul3A_74 : i32
      %add3A_89 = arith.constant 1 : i32
      %add3A_90 = arith.addi %add3A_88, %add3A_89 : i32
      %mul3A_91 = arith.constant 128 : i32
      %mul3A_92 = arith.muli %add3A_90, %mul3A_91 : i32
      %dma_wait3A_93 = tpu.memref_slice %arg3[%mul3A_92] : memref<640000xi32, #tpu.memory_space<hbm>> -> memref<128xi32, #tpu.memory_space<hbm>>
      %dma_wait3A_94 = tpu.memref_slice %arg3[%mul3A_92] : memref<640000xi32, #tpu.memory_space<hbm>> -> memref<128xi32, #tpu.memory_space<hbm>>
      tpu.wait_dma2 semaphore(%arg14 : memref<!tpu.dma_semaphore, #tpu.memory_space<semaphore_mem>>) src(%dma_wait3A_94 : memref<128xi32, #tpu.memory_space<hbm>>) dst(%arg8 : memref<128xi32, #tpu.memory_space<vmem>>)
      %add3A_95 = arith.addi %select_n3A_6, %mul3A_74 : i32
      %add3A_96 = arith.constant 1 : i32
      %add3A_97 = arith.addi %add3A_95, %add3A_96 : i32
      %mul3A_98 = arith.constant 128 : i32
      %mul3A_99 = arith.muli %add3A_97, %mul3A_98 : i32
      %add3A_100 = arith.constant 320000 : i32
      %add3A_101 = arith.addi %add3A_100, %mul3A_99 : i32
      %dma_wait3A_102 = tpu.memref_slice %arg3[%add3A_101] : memref<640000xi32, #tpu.memory_space<hbm>> -> memref<128xi32, #tpu.memory_space<hbm>>
      %dma_wait3A_103 = tpu.memref_slice %arg3[%add3A_101] : memref<640000xi32, #tpu.memory_space<hbm>> -> memref<128xi32, #tpu.memory_space<hbm>>
      tpu.wait_dma2 semaphore(%arg14 : memref<!tpu.dma_semaphore, #tpu.memory_space<semaphore_mem>>) src(%dma_wait3A_103 : memref<128xi32, #tpu.memory_space<hbm>>) dst(%arg9 : memref<128xi32, #tpu.memory_space<vmem>>)
      %dma_start3A_104 = arith.constant 0 : i32
      %dma_start3A_105 = arith.constant 0 : i32
      %dma_start3A_106 = tpu.memref_slice %arg2[%dma_start3A_104, %dma_start3A_105] : memref<10000x128xf32, #tpu.memory_space<hbm>> -> memref<10000x128xf32, #tpu.memory_space<hbm>>
      tpu.enqueue_indirect_dma source(%dma_start3A_106 : memref<10000x128xf32, #tpu.memory_space<hbm>>) target(%arg11 : memref<128x128xf32, #tpu.memory_space<vmem>>) offsets(%arg8 : memref<128xi32, #tpu.memory_space<vmem>>) semaphore(%arg16 : memref<!tpu.dma_semaphore, #tpu.memory_space<semaphore_mem>>)
      %dma_wait3A_107 = arith.constant 0 : i32
      %dma_wait3A_108 = arith.constant 0 : i32
      %dma_wait3A_109 = tpu.memref_slice %arg2[%dma_wait3A_107, %dma_wait3A_108] : memref<10000x128xf32, #tpu.memory_space<hbm>> -> memref<10000x128xf32, #tpu.memory_space<hbm>>
      tpu.wait_indirect_dma semaphore(%arg15 : memref<!tpu.dma_semaphore, #tpu.memory_space<semaphore_mem>>) src(%dma_wait3A_109 : memref<10000x128xf32, #tpu.memory_space<hbm>>) dst(%arg10 : memref<128x128xf32, #tpu.memory_space<vmem>>)
      "tpu.region"() ({
        %run_scoped3A = tpu.sem_alloc : memref<!tpu.dma_semaphore, #tpu.memory_space<semaphore_mem>>
        %dma_start3A_124 = arith.constant 0 : i32
        %dma_start3A_125 = arith.constant 0 : i32
        %dma_start3A_126 = tpu.memref_slice %arg12[%dma_start3A_124, %dma_start3A_125] : memref<10112x128xf32, #tpu.memory_space<vmem_shared>> -> memref<10112x128xf32, #tpu.memory_space<vmem_shared>>
        tpu.enqueue_indirect_dma source(%arg10 : memref<128x128xf32, #tpu.memory_space<vmem>>) target(%dma_start3A_126 : memref<10112x128xf32, #tpu.memory_space<vmem_shared>>) offsets(%arg7 : memref<128xi32, #tpu.memory_space<vmem>>) semaphore(%run_scoped3A : memref<!tpu.dma_semaphore, #tpu.memory_space<semaphore_mem>>) {add = true}
        %dma_wait3A_127 = arith.constant 0 : i32
        %dma_wait3A_128 = arith.constant 0 : i32
        %dma_wait3A_129 = tpu.memref_slice %arg12[%dma_wait3A_127, %dma_wait3A_128] : memref<10112x128xf32, #tpu.memory_space<vmem_shared>> -> memref<10112x128xf32, #tpu.memory_space<vmem_shared>>
        tpu.wait_indirect_dma semaphore(%run_scoped3A : memref<!tpu.dma_semaphore, #tpu.memory_space<semaphore_mem>>) src(%arg10 : memref<128x128xf32, #tpu.memory_space<vmem>>) dst(%dma_wait3A_129 : memref<10112x128xf32, #tpu.memory_space<vmem_shared>>)
        tpu.yield
      }) : () -> ()
      %add3A_110 = arith.constant 2 : i32
      %add3A_111 = arith.addi %mul3A_74, %add3A_110 : i32
      %lt3A = arith.cmpi slt, %add3A_111, %min3A : i32
      %convert_element_type3A_112 = arith.extui %lt3A : i1 to i32
      %cond3A_113 = arith.constant 0 : i32
      %cond3A_114 = arith.cmpi ne, %convert_element_type3A_112, %cond3A_113 : i32
      scf.if %cond3A_114 {
        %add3A_124 = arith.addi %select_n3A_6, %mul3A_74 : i32
        %add3A_125 = arith.constant 2 : i32
        %add3A_126 = arith.addi %add3A_124, %add3A_125 : i32
        %mul3A_127 = arith.constant 128 : i32
        %mul3A_128 = arith.muli %add3A_126, %mul3A_127 : i32
        %dma_start3A_129 = tpu.memref_slice %arg3[%mul3A_128] : memref<640000xi32, #tpu.memory_space<hbm>> -> memref<128xi32, #tpu.memory_space<hbm>>
        %dma_start3A_130 = tpu.memref_slice %arg3[%mul3A_128] : memref<640000xi32, #tpu.memory_space<hbm>> -> memref<128xi32, #tpu.memory_space<hbm>>
        tpu.enqueue_dma source(%dma_start3A_130 : memref<128xi32, #tpu.memory_space<hbm>>) target(%arg6 : memref<128xi32, #tpu.memory_space<vmem>>) target_semaphore(%arg13 : memref<!tpu.dma_semaphore, #tpu.memory_space<semaphore_mem>>)
        %add3A_131 = arith.addi %select_n3A_6, %mul3A_74 : i32
        %add3A_132 = arith.constant 2 : i32
        %add3A_133 = arith.addi %add3A_131, %add3A_132 : i32
        %mul3A_134 = arith.constant 128 : i32
        %mul3A_135 = arith.muli %add3A_133, %mul3A_134 : i32
        %add3A_136 = arith.constant 320000 : i32
        %add3A_137 = arith.addi %add3A_136, %mul3A_135 : i32
        %dma_start3A_138 = tpu.memref_slice %arg3[%add3A_137] : memref<640000xi32, #tpu.memory_space<hbm>> -> memref<128xi32, #tpu.memory_space<hbm>>
        %dma_start3A_139 = tpu.memref_slice %arg3[%add3A_137] : memref<640000xi32, #tpu.memory_space<hbm>> -> memref<128xi32, #tpu.memory_space<hbm>>
        tpu.enqueue_dma source(%dma_start3A_139 : memref<128xi32, #tpu.memory_space<hbm>>) target(%arg7 : memref<128xi32, #tpu.memory_space<vmem>>) target_semaphore(%arg13 : memref<!tpu.dma_semaphore, #tpu.memory_space<semaphore_mem>>)
      } else {
      }
      %dma_wait3A_115 = arith.constant 0 : i32
      %dma_wait3A_116 = arith.constant 0 : i32
      %dma_wait3A_117 = tpu.memref_slice %arg2[%dma_wait3A_115, %dma_wait3A_116] : memref<10000x128xf32, #tpu.memory_space<hbm>> -> memref<10000x128xf32, #tpu.memory_space<hbm>>
      tpu.wait_indirect_dma semaphore(%arg16 : memref<!tpu.dma_semaphore, #tpu.memory_space<semaphore_mem>>) src(%dma_wait3A_117 : memref<10000x128xf32, #tpu.memory_space<hbm>>) dst(%arg11 : memref<128x128xf32, #tpu.memory_space<vmem>>)
      "tpu.region"() ({
        %run_scoped3A = tpu.sem_alloc : memref<!tpu.dma_semaphore, #tpu.memory_space<semaphore_mem>>
        %dma_start3A_124 = arith.constant 0 : i32
        %dma_start3A_125 = arith.constant 0 : i32
        %dma_start3A_126 = tpu.memref_slice %arg12[%dma_start3A_124, %dma_start3A_125] : memref<10112x128xf32, #tpu.memory_space<vmem_shared>> -> memref<10112x128xf32, #tpu.memory_space<vmem_shared>>
        tpu.enqueue_indirect_dma source(%arg11 : memref<128x128xf32, #tpu.memory_space<vmem>>) target(%dma_start3A_126 : memref<10112x128xf32, #tpu.memory_space<vmem_shared>>) offsets(%arg9 : memref<128xi32, #tpu.memory_space<vmem>>) semaphore(%run_scoped3A : memref<!tpu.dma_semaphore, #tpu.memory_space<semaphore_mem>>) {add = true}
        %dma_wait3A_127 = arith.constant 0 : i32
        %dma_wait3A_128 = arith.constant 0 : i32
        %dma_wait3A_129 = tpu.memref_slice %arg12[%dma_wait3A_127, %dma_wait3A_128] : memref<10112x128xf32, #tpu.memory_space<vmem_shared>> -> memref<10112x128xf32, #tpu.memory_space<vmem_shared>>
        tpu.wait_indirect_dma semaphore(%run_scoped3A : memref<!tpu.dma_semaphore, #tpu.memory_space<semaphore_mem>>) src(%arg11 : memref<128x128xf32, #tpu.memory_space<vmem>>) dst(%dma_wait3A_129 : memref<10112x128xf32, #tpu.memory_space<vmem_shared>>)
        tpu.yield
      }) : () -> ()
      %add3A_118 = arith.constant 3 : i32
      %add3A_119 = arith.addi %mul3A_74, %add3A_118 : i32
      %lt3A_120 = arith.cmpi slt, %add3A_119, %min3A : i32
      %convert_element_type3A_121 = arith.extui %lt3A_120 : i1 to i32
      %cond3A_122 = arith.constant 0 : i32
      %cond3A_123 = arith.cmpi ne, %convert_element_type3A_121, %cond3A_122 : i32
      scf.if %cond3A_123 {
        %add3A_124 = arith.addi %select_n3A_6, %mul3A_74 : i32
        %add3A_125 = arith.constant 3 : i32
        %add3A_126 = arith.addi %add3A_124, %add3A_125 : i32
        %mul3A_127 = arith.constant 128 : i32
        %mul3A_128 = arith.muli %add3A_126, %mul3A_127 : i32
        %dma_start3A_129 = tpu.memref_slice %arg3[%mul3A_128] : memref<640000xi32, #tpu.memory_space<hbm>> -> memref<128xi32, #tpu.memory_space<hbm>>
        %dma_start3A_130 = tpu.memref_slice %arg3[%mul3A_128] : memref<640000xi32, #tpu.memory_space<hbm>> -> memref<128xi32, #tpu.memory_space<hbm>>
        tpu.enqueue_dma source(%dma_start3A_130 : memref<128xi32, #tpu.memory_space<hbm>>) target(%arg8 : memref<128xi32, #tpu.memory_space<vmem>>) target_semaphore(%arg14 : memref<!tpu.dma_semaphore, #tpu.memory_space<semaphore_mem>>)
        %add3A_131 = arith.addi %select_n3A_6, %mul3A_74 : i32
        %add3A_132 = arith.constant 3 : i32
        %add3A_133 = arith.addi %add3A_131, %add3A_132 : i32
        %mul3A_134 = arith.constant 128 : i32
        %mul3A_135 = arith.muli %add3A_133, %mul3A_134 : i32
        %add3A_136 = arith.constant 320000 : i32
        %add3A_137 = arith.addi %add3A_136, %mul3A_135 : i32
        %dma_start3A_138 = tpu.memref_slice %arg3[%add3A_137] : memref<640000xi32, #tpu.memory_space<hbm>> -> memref<128xi32, #tpu.memory_space<hbm>>
        %dma_start3A_139 = tpu.memref_slice %arg3[%add3A_137] : memref<640000xi32, #tpu.memory_space<hbm>> -> memref<128xi32, #tpu.memory_space<hbm>>
        tpu.enqueue_dma source(%dma_start3A_139 : memref<128xi32, #tpu.memory_space<hbm>>) target(%arg9 : memref<128xi32, #tpu.memory_space<vmem>>) target_semaphore(%arg14 : memref<!tpu.dma_semaphore, #tpu.memory_space<semaphore_mem>>)
      } else {
      }
    }
    %while3A_63 = arith.constant 1 : i32
    scf.for %while3A_72 = %while3A_61 to %while3A_57 step %while3A_63  : i32 {
      %mul3A_73 = arith.constant 2 : i32
      %mul3A_74 = arith.muli %mul3A_73, %while3A_72 : i32
      %add3A_75 = arith.addi %select_n3A_6, %mul3A_74 : i32
      %mul3A_76 = arith.constant 128 : i32
      %mul3A_77 = arith.muli %add3A_75, %mul3A_76 : i32
      %dma_wait3A = tpu.memref_slice %arg3[%mul3A_77] : memref<640000xi32, #tpu.memory_space<hbm>> -> memref<128xi32, #tpu.memory_space<hbm>>
      %dma_wait3A_78 = tpu.memref_slice %arg3[%mul3A_77] : memref<640000xi32, #tpu.memory_space<hbm>> -> memref<128xi32, #tpu.memory_space<hbm>>
      tpu.wait_dma2 semaphore(%arg13 : memref<!tpu.dma_semaphore, #tpu.memory_space<semaphore_mem>>) src(%dma_wait3A_78 : memref<128xi32, #tpu.memory_space<hbm>>) dst(%arg6 : memref<128xi32, #tpu.memory_space<vmem>>)
      %add3A_79 = arith.addi %select_n3A_6, %mul3A_74 : i32
      %mul3A_80 = arith.constant 128 : i32
      %mul3A_81 = arith.muli %add3A_79, %mul3A_80 : i32
      %add3A_82 = arith.constant 320000 : i32
      %add3A_83 = arith.addi %add3A_82, %mul3A_81 : i32
      %dma_wait3A_84 = tpu.memref_slice %arg3[%add3A_83] : memref<640000xi32, #tpu.memory_space<hbm>> -> memref<128xi32, #tpu.memory_space<hbm>>
      %dma_wait3A_85 = tpu.memref_slice %arg3[%add3A_83] : memref<640000xi32, #tpu.memory_space<hbm>> -> memref<128xi32, #tpu.memory_space<hbm>>
      tpu.wait_dma2 semaphore(%arg13 : memref<!tpu.dma_semaphore, #tpu.memory_space<semaphore_mem>>) src(%dma_wait3A_85 : memref<128xi32, #tpu.memory_space<hbm>>) dst(%arg7 : memref<128xi32, #tpu.memory_space<vmem>>)
      %dma_start3A = arith.constant 0 : i32
      %dma_start3A_86 = arith.constant 0 : i32
      %dma_start3A_87 = tpu.memref_slice %arg2[%dma_start3A, %dma_start3A_86] : memref<10000x128xf32, #tpu.memory_space<hbm>> -> memref<10000x128xf32, #tpu.memory_space<hbm>>
      tpu.enqueue_indirect_dma source(%dma_start3A_87 : memref<10000x128xf32, #tpu.memory_space<hbm>>) target(%arg10 : memref<128x128xf32, #tpu.memory_space<vmem>>) offsets(%arg6 : memref<128xi32, #tpu.memory_space<vmem>>) semaphore(%arg15 : memref<!tpu.dma_semaphore, #tpu.memory_space<semaphore_mem>>)
      %add3A_88 = arith.addi %select_n3A_6, %mul3A_74 : i32
      %add3A_89 = arith.constant 1 : i32
      %add3A_90 = arith.addi %add3A_88, %add3A_89 : i32
      %mul3A_91 = arith.constant 128 : i32
      %mul3A_92 = arith.muli %add3A_90, %mul3A_91 : i32
      %dma_wait3A_93 = tpu.memref_slice %arg3[%mul3A_92] : memref<640000xi32, #tpu.memory_space<hbm>> -> memref<128xi32, #tpu.memory_space<hbm>>
      %dma_wait3A_94 = tpu.memref_slice %arg3[%mul3A_92] : memref<640000xi32, #tpu.memory_space<hbm>> -> memref<128xi32, #tpu.memory_space<hbm>>
      tpu.wait_dma2 semaphore(%arg14 : memref<!tpu.dma_semaphore, #tpu.memory_space<semaphore_mem>>) src(%dma_wait3A_94 : memref<128xi32, #tpu.memory_space<hbm>>) dst(%arg8 : memref<128xi32, #tpu.memory_space<vmem>>)
      %add3A_95 = arith.addi %select_n3A_6, %mul3A_74 : i32
      %add3A_96 = arith.constant 1 : i32
      %add3A_97 = arith.addi %add3A_95, %add3A_96 : i32
      %mul3A_98 = arith.constant 128 : i32
      %mul3A_99 = arith.muli %add3A_97, %mul3A_98 : i32
      %add3A_100 = arith.constant 320000 : i32
      %add3A_101 = arith.addi %add3A_100, %mul3A_99 : i32
      %dma_wait3A_102 = tpu.memref_slice %arg3[%add3A_101] : memref<640000xi32, #tpu.memory_space<hbm>> -> memref<128xi32, #tpu.memory_space<hbm>>
      %dma_wait3A_103 = tpu.memref_slice %arg3[%add3A_101] : memref<640000xi32, #tpu.memory_space<hbm>> -> memref<128xi32, #tpu.memory_space<hbm>>
      tpu.wait_dma2 semaphore(%arg14 : memref<!tpu.dma_semaphore, #tpu.memory_space<semaphore_mem>>) src(%dma_wait3A_103 : memref<128xi32, #tpu.memory_space<hbm>>) dst(%arg9 : memref<128xi32, #tpu.memory_space<vmem>>)
      %dma_start3A_104 = arith.constant 0 : i32
      %dma_start3A_105 = arith.constant 0 : i32
      %dma_start3A_106 = tpu.memref_slice %arg2[%dma_start3A_104, %dma_start3A_105] : memref<10000x128xf32, #tpu.memory_space<hbm>> -> memref<10000x128xf32, #tpu.memory_space<hbm>>
      tpu.enqueue_indirect_dma source(%dma_start3A_106 : memref<10000x128xf32, #tpu.memory_space<hbm>>) target(%arg11 : memref<128x128xf32, #tpu.memory_space<vmem>>) offsets(%arg8 : memref<128xi32, #tpu.memory_space<vmem>>) semaphore(%arg16 : memref<!tpu.dma_semaphore, #tpu.memory_space<semaphore_mem>>)
      %dma_wait3A_107 = arith.constant 0 : i32
      %dma_wait3A_108 = arith.constant 0 : i32
      %dma_wait3A_109 = tpu.memref_slice %arg2[%dma_wait3A_107, %dma_wait3A_108] : memref<10000x128xf32, #tpu.memory_space<hbm>> -> memref<10000x128xf32, #tpu.memory_space<hbm>>
      tpu.wait_indirect_dma semaphore(%arg15 : memref<!tpu.dma_semaphore, #tpu.memory_space<semaphore_mem>>) src(%dma_wait3A_109 : memref<10000x128xf32, #tpu.memory_space<hbm>>) dst(%arg10 : memref<128x128xf32, #tpu.memory_space<vmem>>)
      "tpu.region"() ({
        %run_scoped3A = tpu.sem_alloc : memref<!tpu.dma_semaphore, #tpu.memory_space<semaphore_mem>>
        %dma_start3A_124 = arith.constant 0 : i32
        %dma_start3A_125 = arith.constant 0 : i32
        %dma_start3A_126 = tpu.memref_slice %arg12[%dma_start3A_124, %dma_start3A_125] : memref<10112x128xf32, #tpu.memory_space<vmem_shared>> -> memref<10112x128xf32, #tpu.memory_space<vmem_shared>>
        tpu.enqueue_indirect_dma source(%arg10 : memref<128x128xf32, #tpu.memory_space<vmem>>) target(%dma_start3A_126 : memref<10112x128xf32, #tpu.memory_space<vmem_shared>>) offsets(%arg7 : memref<128xi32, #tpu.memory_space<vmem>>) semaphore(%run_scoped3A : memref<!tpu.dma_semaphore, #tpu.memory_space<semaphore_mem>>) {add = true}
        %dma_wait3A_127 = arith.constant 0 : i32
        %dma_wait3A_128 = arith.constant 0 : i32
        %dma_wait3A_129 = tpu.memref_slice %arg12[%dma_wait3A_127, %dma_wait3A_128] : memref<10112x128xf32, #tpu.memory_space<vmem_shared>> -> memref<10112x128xf32, #tpu.memory_space<vmem_shared>>
        tpu.wait_indirect_dma semaphore(%run_scoped3A : memref<!tpu.dma_semaphore, #tpu.memory_space<semaphore_mem>>) src(%arg10 : memref<128x128xf32, #tpu.memory_space<vmem>>) dst(%dma_wait3A_129 : memref<10112x128xf32, #tpu.memory_space<vmem_shared>>)
        tpu.yield
      }) : () -> ()
      %add3A_110 = arith.constant 2 : i32
      %add3A_111 = arith.addi %mul3A_74, %add3A_110 : i32
      %lt3A = arith.cmpi slt, %add3A_111, %min3A : i32
      %convert_element_type3A_112 = arith.extui %lt3A : i1 to i32
      %cond3A_113 = arith.constant 0 : i32
      %cond3A_114 = arith.cmpi ne, %convert_element_type3A_112, %cond3A_113 : i32
      scf.if %cond3A_114 {
        %add3A_124 = arith.addi %select_n3A_6, %mul3A_74 : i32
        %add3A_125 = arith.constant 2 : i32
        %add3A_126 = arith.addi %add3A_124, %add3A_125 : i32
        %mul3A_127 = arith.constant 128 : i32
        %mul3A_128 = arith.muli %add3A_126, %mul3A_127 : i32
        %dma_start3A_129 = tpu.memref_slice %arg3[%mul3A_128] : memref<640000xi32, #tpu.memory_space<hbm>> -> memref<128xi32, #tpu.memory_space<hbm>>
        %dma_start3A_130 = tpu.memref_slice %arg3[%mul3A_128] : memref<640000xi32, #tpu.memory_space<hbm>> -> memref<128xi32, #tpu.memory_space<hbm>>
        tpu.enqueue_dma source(%dma_start3A_130 : memref<128xi32, #tpu.memory_space<hbm>>) target(%arg6 : memref<128xi32, #tpu.memory_space<vmem>>) target_semaphore(%arg13 : memref<!tpu.dma_semaphore, #tpu.memory_space<semaphore_mem>>)
        %add3A_131 = arith.addi %select_n3A_6, %mul3A_74 : i32
        %add3A_132 = arith.constant 2 : i32
        %add3A_133 = arith.addi %add3A_131, %add3A_132 : i32
        %mul3A_134 = arith.constant 128 : i32
        %mul3A_135 = arith.muli %add3A_133, %mul3A_134 : i32
        %add3A_136 = arith.constant 320000 : i32
        %add3A_137 = arith.addi %add3A_136, %mul3A_135 : i32
        %dma_start3A_138 = tpu.memref_slice %arg3[%add3A_137] : memref<640000xi32, #tpu.memory_space<hbm>> -> memref<128xi32, #tpu.memory_space<hbm>>
        %dma_start3A_139 = tpu.memref_slice %arg3[%add3A_137] : memref<640000xi32, #tpu.memory_space<hbm>> -> memref<128xi32, #tpu.memory_space<hbm>>
        tpu.enqueue_dma source(%dma_start3A_139 : memref<128xi32, #tpu.memory_space<hbm>>) target(%arg7 : memref<128xi32, #tpu.memory_space<vmem>>) target_semaphore(%arg13 : memref<!tpu.dma_semaphore, #tpu.memory_space<semaphore_mem>>)
      } else {
      }
      %dma_wait3A_115 = arith.constant 0 : i32
      %dma_wait3A_116 = arith.constant 0 : i32
      %dma_wait3A_117 = tpu.memref_slice %arg2[%dma_wait3A_115, %dma_wait3A_116] : memref<10000x128xf32, #tpu.memory_space<hbm>> -> memref<10000x128xf32, #tpu.memory_space<hbm>>
      tpu.wait_indirect_dma semaphore(%arg16 : memref<!tpu.dma_semaphore, #tpu.memory_space<semaphore_mem>>) src(%dma_wait3A_117 : memref<10000x128xf32, #tpu.memory_space<hbm>>) dst(%arg11 : memref<128x128xf32, #tpu.memory_space<vmem>>)
      "tpu.region"() ({
        %run_scoped3A = tpu.sem_alloc : memref<!tpu.dma_semaphore, #tpu.memory_space<semaphore_mem>>
        %dma_start3A_124 = arith.constant 0 : i32
        %dma_start3A_125 = arith.constant 0 : i32
        %dma_start3A_126 = tpu.memref_slice %arg12[%dma_start3A_124, %dma_start3A_125] : memref<10112x128xf32, #tpu.memory_space<vmem_shared>> -> memref<10112x128xf32, #tpu.memory_space<vmem_shared>>
        tpu.enqueue_indirect_dma source(%arg11 : memref<128x128xf32, #tpu.memory_space<vmem>>) target(%dma_start3A_126 : memref<10112x128xf32, #tpu.memory_space<vmem_shared>>) offsets(%arg9 : memref<128xi32, #tpu.memory_space<vmem>>) semaphore(%run_scoped3A : memref<!tpu.dma_semaphore, #tpu.memory_space<semaphore_mem>>) {add = true}
        %dma_wait3A_127 = arith.constant 0 : i32
        %dma_wait3A_128 = arith.constant 0 : i32
        %dma_wait3A_129 = tpu.memref_slice %arg12[%dma_wait3A_127, %dma_wait3A_128] : memref<10112x128xf32, #tpu.memory_space<vmem_shared>> -> memref<10112x128xf32, #tpu.memory_space<vmem_shared>>
        tpu.wait_indirect_dma semaphore(%run_scoped3A : memref<!tpu.dma_semaphore, #tpu.memory_space<semaphore_mem>>) src(%arg11 : memref<128x128xf32, #tpu.memory_space<vmem>>) dst(%dma_wait3A_129 : memref<10112x128xf32, #tpu.memory_space<vmem_shared>>)
        tpu.yield
      }) : () -> ()
      %add3A_118 = arith.constant 3 : i32
      %add3A_119 = arith.addi %mul3A_74, %add3A_118 : i32
      %lt3A_120 = arith.cmpi slt, %add3A_119, %min3A : i32
      %convert_element_type3A_121 = arith.extui %lt3A_120 : i1 to i32
      %cond3A_122 = arith.constant 0 : i32
      %cond3A_123 = arith.cmpi ne, %convert_element_type3A_121, %cond3A_122 : i32
      scf.if %cond3A_123 {
        %add3A_124 = arith.addi %select_n3A_6, %mul3A_74 : i32
        %add3A_125 = arith.constant 3 : i32
        %add3A_126 = arith.addi %add3A_124, %add3A_125 : i32
        %mul3A_127 = arith.constant 128 : i32
        %mul3A_128 = arith.muli %add3A_126, %mul3A_127 : i32
        %dma_start3A_129 = tpu.memref_slice %arg3[%mul3A_128] : memref<640000xi32, #tpu.memory_space<hbm>> -> memref<128xi32, #tpu.memory_space<hbm>>
        %dma_start3A_130 = tpu.memref_slice %arg3[%mul3A_128] : memref<640000xi32, #tpu.memory_space<hbm>> -> memref<128xi32, #tpu.memory_space<hbm>>
        tpu.enqueue_dma source(%dma_start3A_130 : memref<128xi32, #tpu.memory_space<hbm>>) target(%arg8 : memref<128xi32, #tpu.memory_space<vmem>>) target_semaphore(%arg14 : memref<!tpu.dma_semaphore, #tpu.memory_space<semaphore_mem>>)
        %add3A_131 = arith.addi %select_n3A_6, %mul3A_74 : i32
        %add3A_132 = arith.constant 3 : i32
        %add3A_133 = arith.addi %add3A_131, %add3A_132 : i32
        %mul3A_134 = arith.constant 128 : i32
        %mul3A_135 = arith.muli %add3A_133, %mul3A_134 : i32
        %add3A_136 = arith.constant 320000 : i32
        %add3A_137 = arith.addi %add3A_136, %mul3A_135 : i32
        %dma_start3A_138 = tpu.memref_slice %arg3[%add3A_137] : memref<640000xi32, #tpu.memory_space<hbm>> -> memref<128xi32, #tpu.memory_space<hbm>>
        %dma_start3A_139 = tpu.memref_slice %arg3[%add3A_137] : memref<640000xi32, #tpu.memory_space<hbm>> -> memref<128xi32, #tpu.memory_space<hbm>>
        tpu.enqueue_dma source(%dma_start3A_139 : memref<128xi32, #tpu.memory_space<hbm>>) target(%arg9 : memref<128xi32, #tpu.memory_space<vmem>>) target_semaphore(%arg14 : memref<!tpu.dma_semaphore, #tpu.memory_space<semaphore_mem>>)
      } else {
      }
    }
    %barrier3A_64 = arith.constant 0 : index
    tpu.barrier barrier_id(%barrier3A_64)
    %convert_element_type3A_65 = arith.extui %eq3A_0 : i1 to i32
    %cond3A_66 = arith.constant 0 : i32
    %cond3A_67 = arith.cmpi ne, %convert_element_type3A_65, %cond3A_66 : i32
    scf.if %cond3A_67 {
      %mul3A_72 = arith.constant 624 : i32
      %mul3A_73 = arith.muli %arg1, %mul3A_72 : i32
      %mul3A_74 = arith.constant 624 : i32
      %mul3A_75 = arith.muli %arg1, %mul3A_74 : i32
      "tpu.region"() ({
        %run_scoped3A = tpu.sem_alloc : memref<!tpu.dma_semaphore, #tpu.memory_space<semaphore_mem>>
        %dma_start3A = arith.constant 0 : i32
        %dma_start3A_81 = tpu.memref_slice %arg4[%mul3A_75, %dma_start3A] : memref<10000x128xf32, #tpu.memory_space<hbm>> -> memref<624x128xf32, #tpu.memory_space<hbm>>
        %dma_start3A_82 = arith.constant 0 : i32
        %dma_start3A_83 = tpu.memref_slice %arg12[%mul3A_73, %dma_start3A_82] : memref<10112x128xf32, #tpu.memory_space<vmem_shared>> -> memref<624x128xf32, #tpu.memory_space<vmem_shared>>
        tpu.enqueue_dma source(%dma_start3A_83 : memref<624x128xf32, #tpu.memory_space<vmem_shared>>) target(%dma_start3A_81 : memref<624x128xf32, #tpu.memory_space<hbm>>) target_semaphore(%run_scoped3A : memref<!tpu.dma_semaphore, #tpu.memory_space<semaphore_mem>>)
        %dma_wait3A = arith.constant 0 : i32
        %dma_wait3A_84 = tpu.memref_slice %arg4[%mul3A_75, %dma_wait3A] : memref<10000x128xf32, #tpu.memory_space<hbm>> -> memref<624x128xf32, #tpu.memory_space<hbm>>
        %dma_wait3A_85 = arith.constant 0 : i32
        %dma_wait3A_86 = tpu.memref_slice %arg12[%mul3A_73, %dma_wait3A_85] : memref<10112x128xf32, #tpu.memory_space<vmem_shared>> -> memref<624x128xf32, #tpu.memory_space<vmem_shared>>
        tpu.wait_dma2 semaphore(%run_scoped3A : memref<!tpu.dma_semaphore, #tpu.memory_space<semaphore_mem>>) src(%dma_wait3A_86 : memref<624x128xf32, #tpu.memory_space<vmem_shared>>) dst(%dma_wait3A_84 : memref<624x128xf32, #tpu.memory_space<hbm>>)
        tpu.yield
      }) : () -> ()
      %eq3A_76 = arith.constant 0 : i32
      %eq3A_77 = arith.cmpi eq, %arg1, %eq3A_76 : i32
      %convert_element_type3A_78 = arith.extui %eq3A_77 : i1 to i32
      %cond3A_79 = arith.constant 0 : i32
      %cond3A_80 = arith.cmpi ne, %convert_element_type3A_78, %cond3A_79 : i32
      scf.if %cond3A_80 {
        "tpu.region"() ({
          %run_scoped3A = tpu.sem_alloc : memref<!tpu.dma_semaphore, #tpu.memory_space<semaphore_mem>>
          %dma_start3A = arith.constant 9984 : i32
          %dma_start3A_81 = arith.constant 0 : i32
          %dma_start3A_82 = tpu.memref_slice %arg4[%dma_start3A, %dma_start3A_81] : memref<10000x128xf32, #tpu.memory_space<hbm>> -> memref<16x128xf32, #tpu.memory_space<hbm>>
          %dma_start3A_83 = arith.constant 9984 : i32
          %dma_start3A_84 = arith.constant 0 : i32
          %dma_start3A_85 = tpu.memref_slice %arg12[%dma_start3A_83, %dma_start3A_84] : memref<10112x128xf32, #tpu.memory_space<vmem_shared>> -> memref<16x128xf32, #tpu.memory_space<vmem_shared>>
          tpu.enqueue_dma source(%dma_start3A_85 : memref<16x128xf32, #tpu.memory_space<vmem_shared>>) target(%dma_start3A_82 : memref<16x128xf32, #tpu.memory_space<hbm>>) target_semaphore(%run_scoped3A : memref<!tpu.dma_semaphore, #tpu.memory_space<semaphore_mem>>)
          %dma_wait3A = arith.constant 9984 : i32
          %dma_wait3A_86 = arith.constant 0 : i32
          %dma_wait3A_87 = tpu.memref_slice %arg4[%dma_wait3A, %dma_wait3A_86] : memref<10000x128xf32, #tpu.memory_space<hbm>> -> memref<16x128xf32, #tpu.memory_space<hbm>>
          %dma_wait3A_88 = arith.constant 9984 : i32
          %dma_wait3A_89 = arith.constant 0 : i32
          %dma_wait3A_90 = tpu.memref_slice %arg12[%dma_wait3A_88, %dma_wait3A_89] : memref<10112x128xf32, #tpu.memory_space<vmem_shared>> -> memref<16x128xf32, #tpu.memory_space<vmem_shared>>
          tpu.wait_dma2 semaphore(%run_scoped3A : memref<!tpu.dma_semaphore, #tpu.memory_space<semaphore_mem>>) src(%dma_wait3A_90 : memref<16x128xf32, #tpu.memory_space<vmem_shared>>) dst(%dma_wait3A_87 : memref<16x128xf32, #tpu.memory_space<hbm>>)
          tpu.yield
        }) : () -> ()
      } else {
      }
    } else {
    }
    %not3A = arith.constant true
    %not3A_68 = arith.xori %eq3A_0, %not3A : i1
    %convert_element_type3A_69 = arith.extui %not3A_68 : i1 to i32
    %cond3A_70 = arith.constant 0 : i32
    %cond3A_71 = arith.cmpi ne, %convert_element_type3A_69, %cond3A_70 : i32
    scf.if %cond3A_71 {
      %mul3A_72 = arith.constant 624 : i32
      %mul3A_73 = arith.muli %arg1, %mul3A_72 : i32
      %mul3A_74 = arith.constant 624 : i32
      %mul3A_75 = arith.muli %arg1, %mul3A_74 : i32
      "tpu.region"() ({
        %run_scoped3A = tpu.sem_alloc : memref<!tpu.dma_semaphore, #tpu.memory_space<semaphore_mem>>
        %dma_start3A = arith.constant 0 : i32
        %dma_start3A_81 = tpu.memref_slice %arg5[%mul3A_75, %dma_start3A] : memref<10000x128xf32, #tpu.memory_space<hbm>> -> memref<624x128xf32, #tpu.memory_space<hbm>>
        %dma_start3A_82 = arith.constant 0 : i32
        %dma_start3A_83 = tpu.memref_slice %arg12[%mul3A_73, %dma_start3A_82] : memref<10112x128xf32, #tpu.memory_space<vmem_shared>> -> memref<624x128xf32, #tpu.memory_space<vmem_shared>>
        tpu.enqueue_dma source(%dma_start3A_83 : memref<624x128xf32, #tpu.memory_space<vmem_shared>>) target(%dma_start3A_81 : memref<624x128xf32, #tpu.memory_space<hbm>>) target_semaphore(%run_scoped3A : memref<!tpu.dma_semaphore, #tpu.memory_space<semaphore_mem>>)
        %dma_wait3A = arith.constant 0 : i32
        %dma_wait3A_84 = tpu.memref_slice %arg5[%mul3A_75, %dma_wait3A] : memref<10000x128xf32, #tpu.memory_space<hbm>> -> memref<624x128xf32, #tpu.memory_space<hbm>>
        %dma_wait3A_85 = arith.constant 0 : i32
        %dma_wait3A_86 = tpu.memref_slice %arg12[%mul3A_73, %dma_wait3A_85] : memref<10112x128xf32, #tpu.memory_space<vmem_shared>> -> memref<624x128xf32, #tpu.memory_space<vmem_shared>>
        tpu.wait_dma2 semaphore(%run_scoped3A : memref<!tpu.dma_semaphore, #tpu.memory_space<semaphore_mem>>) src(%dma_wait3A_86 : memref<624x128xf32, #tpu.memory_space<vmem_shared>>) dst(%dma_wait3A_84 : memref<624x128xf32, #tpu.memory_space<hbm>>)
        tpu.yield
      }) : () -> ()
      %eq3A_76 = arith.constant 0 : i32
      %eq3A_77 = arith.cmpi eq, %arg1, %eq3A_76 : i32
      %convert_element_type3A_78 = arith.extui %eq3A_77 : i1 to i32
      %cond3A_79 = arith.constant 0 : i32
      %cond3A_80 = arith.cmpi ne, %convert_element_type3A_78, %cond3A_79 : i32
      scf.if %cond3A_80 {
        "tpu.region"() ({
          %run_scoped3A = tpu.sem_alloc : memref<!tpu.dma_semaphore, #tpu.memory_space<semaphore_mem>>
          %dma_start3A = arith.constant 9984 : i32
          %dma_start3A_81 = arith.constant 0 : i32
          %dma_start3A_82 = tpu.memref_slice %arg5[%dma_start3A, %dma_start3A_81] : memref<10000x128xf32, #tpu.memory_space<hbm>> -> memref<16x128xf32, #tpu.memory_space<hbm>>
          %dma_start3A_83 = arith.constant 9984 : i32
          %dma_start3A_84 = arith.constant 0 : i32
          %dma_start3A_85 = tpu.memref_slice %arg12[%dma_start3A_83, %dma_start3A_84] : memref<10112x128xf32, #tpu.memory_space<vmem_shared>> -> memref<16x128xf32, #tpu.memory_space<vmem_shared>>
          tpu.enqueue_dma source(%dma_start3A_85 : memref<16x128xf32, #tpu.memory_space<vmem_shared>>) target(%dma_start3A_82 : memref<16x128xf32, #tpu.memory_space<hbm>>) target_semaphore(%run_scoped3A : memref<!tpu.dma_semaphore, #tpu.memory_space<semaphore_mem>>)
          %dma_wait3A = arith.constant 9984 : i32
          %dma_wait3A_86 = arith.constant 0 : i32
          %dma_wait3A_87 = tpu.memref_slice %arg5[%dma_wait3A, %dma_wait3A_86] : memref<10000x128xf32, #tpu.memory_space<hbm>> -> memref<16x128xf32, #tpu.memory_space<hbm>>
          %dma_wait3A_88 = arith.constant 9984 : i32
          %dma_wait3A_89 = arith.constant 0 : i32
          %dma_wait3A_90 = tpu.memref_slice %arg12[%dma_wait3A_88, %dma_wait3A_89] : memref<10112x128xf32, #tpu.memory_space<vmem_shared>> -> memref<16x128xf32, #tpu.memory_space<vmem_shared>>
          tpu.wait_dma2 semaphore(%run_scoped3A : memref<!tpu.dma_semaphore, #tpu.memory_space<semaphore_mem>>) src(%dma_wait3A_90 : memref<16x128xf32, #tpu.memory_space<vmem_shared>>) dst(%dma_wait3A_87 : memref<16x128xf32, #tpu.memory_space<hbm>>)
          tpu.yield
        }) : () -> ()
      } else {
      }
    } else {
    }
    return
  }
}

module attributes {stable_mosaic.version = 14 : i64} {
  func.func @_bn(%arg0: i32, %arg1: memref<10000x128xf32, #tpu.memory_space<vmem>>, %arg2: memref<8x128xf32, #tpu.memory_space<vmem>>, %arg3: memref<1x128xf32, #tpu.memory_space<vmem>>, %arg4: memref<1x128xf32, #tpu.memory_space<vmem>>, %arg5: memref<10000x128xf32, #tpu.memory_space<vmem>>) attributes {dimension_semantics = [#tpu.dimension_semantics<arbitrary>], iteration_bounds = array<i64: 1>, scalar_prefetch = 0 : i64, scratch_operands = 0 : i64, tpu.core_type = #tpu.core_type<tc>, window_params = [{transform_indices = @transform_0, window_bounds = array<i64: 10000, 128>}, {pipeline_mode = #tpu.pipeline_mode<synchronous>, transform_indices = @transform_1, window_bounds = array<i64: 8, 128>}, {pipeline_mode = #tpu.pipeline_mode<synchronous>, transform_indices = @transform_2, window_bounds = array<i64: 1, 128>}, {pipeline_mode = #tpu.pipeline_mode<synchronous>, transform_indices = @transform_3, window_bounds = array<i64: 1, 128>}, {transform_indices = @transform_4, window_bounds = array<i64: 10000, 128>}]} {
    %get3A = arith.constant 0 : index
    %get3A_0 = arith.constant 0 : index
    %get3A_1 = vector.load %arg2[%get3A, %get3A_0] : memref<8x128xf32, #tpu.memory_space<vmem>>, vector<1x128xf32>
    %mul3A = arith.constant 9.99999974E-5 : f32
    %mul3A_2 = vector.broadcast %mul3A : f32 to vector<1x128xf32>
    %mul3A_3 = arith.mulf %get3A_1, %mul3A_2 : vector<1x128xf32>
    %get3A_4 = arith.constant 1 : index
    %get3A_5 = arith.constant 0 : index
    %get3A_6 = vector.load %arg2[%get3A_4, %get3A_5] : memref<8x128xf32, #tpu.memory_space<vmem>>, vector<1x128xf32>
    %mul3A_7 = arith.constant 9.99999974E-5 : f32
    %mul3A_8 = vector.broadcast %mul3A_7 : f32 to vector<1x128xf32>
    %mul3A_9 = arith.mulf %get3A_6, %mul3A_8 : vector<1x128xf32>
    %mul3A_10 = arith.mulf %mul3A_3, %mul3A_3 : vector<1x128xf32>
    %sub3A = arith.subf %mul3A_9, %mul3A_10 : vector<1x128xf32>
    %get3A_11 = arith.constant 0 : index
    %get3A_12 = arith.constant 0 : index
    %get3A_13 = vector.load %arg3[%get3A_11, %get3A_12] : memref<1x128xf32, #tpu.memory_space<vmem>>, vector<1x128xf32>
    %add3A = arith.constant 9.99999974E-6 : f32
    %add3A_14 = vector.broadcast %add3A : f32 to vector<1x128xf32>
    %add3A_15 = arith.addf %sub3A, %add3A_14 : vector<1x128xf32>
    %rsqrt3A = math.rsqrt %add3A_15 : vector<1x128xf32>
    %mul3A_16 = arith.mulf %get3A_13, %rsqrt3A : vector<1x128xf32>
    %get3A_17 = arith.constant 0 : index
    %get3A_18 = arith.constant 0 : index
    %get3A_19 = vector.load %arg1[%get3A_17, %get3A_18] : memref<10000x128xf32, #tpu.memory_space<vmem>>, vector<10000x128xf32>
    %sub3A_20 = vector.broadcast %mul3A_3 : vector<1x128xf32> to vector<10000x128xf32>
    %sub3A_21 = arith.subf %get3A_19, %sub3A_20 : vector<10000x128xf32>
    %mul3A_22 = vector.broadcast %mul3A_16 : vector<1x128xf32> to vector<10000x128xf32>
    %mul3A_23 = arith.mulf %sub3A_21, %mul3A_22 : vector<10000x128xf32>
    %get3A_24 = arith.constant 0 : index
    %get3A_25 = arith.constant 0 : index
    %get3A_26 = vector.load %arg4[%get3A_24, %get3A_25] : memref<1x128xf32, #tpu.memory_space<vmem>>, vector<1x128xf32>
    %add3A_27 = vector.broadcast %get3A_26 : vector<1x128xf32> to vector<10000x128xf32>
    %add3A_28 = arith.addf %mul3A_23, %add3A_27 : vector<10000x128xf32>
    %swap3A = arith.constant 0 : index
    %swap3A_29 = arith.constant 0 : index
    %swap3A_30 = vector.load %arg5[%swap3A, %swap3A_29] : memref<10000x128xf32, #tpu.memory_space<vmem>>, vector<10000x128xf32>
    tpu.vector_store %arg5[%swap3A, %swap3A_29], %add3A_28 {strides = array<i32>} : memref<10000x128xf32, #tpu.memory_space<vmem>>, vector<10000x128xf32>,
    return
  }
  func.func @transform_0(%arg0: i32) -> (i32, i32) {
    %c0_i32 = arith.constant 0 : i32
    %c0_i32_0 = arith.constant 0 : i32
    return %arg0, %c0_i32 : i32, i32
  }
  func.func @transform_1(%arg0: i32) -> (i32, i32) {
    %c0_i32 = arith.constant 0 : i32
    %c0_i32_0 = arith.constant 0 : i32
    %c0_i32_1 = arith.constant 0 : i32
    return %c0_i32, %c0_i32_0 : i32, i32
  }
  func.func @transform_2(%arg0: i32) -> (i32, i32) {
    %c0_i32 = arith.constant 0 : i32
    %c0_i32_0 = arith.constant 0 : i32
    %c0_i32_1 = arith.constant 0 : i32
    return %c0_i32, %c0_i32_0 : i32, i32
  }
  func.func @transform_3(%arg0: i32) -> (i32, i32) {
    %c0_i32 = arith.constant 0 : i32
    %c0_i32_0 = arith.constant 0 : i32
    %c0_i32_1 = arith.constant 0 : i32
    return %c0_i32, %c0_i32_0 : i32, i32
  }
  func.func @transform_4(%arg0: i32) -> (i32, i32) {
    %c0_i32 = arith.constant 0 : i32
    %c0_i32_0 = arith.constant 0 : i32
    return %arg0, %c0_i32 : i32, i32
  }
}

module attributes {stable_mosaic.version = 14 : i64} {
  func.func @_dense(%arg0: i32, %arg1: memref<10000x128xf32, #tpu.memory_space<vmem>>, %arg2: memref<10000x128xf32, #tpu.memory_space<vmem>>, %arg3: memref<10000x128xf32, #tpu.memory_space<vmem>>, %arg4: memref<128x128xf32, #tpu.memory_space<vmem>>, %arg5: memref<1x128xf32, #tpu.memory_space<vmem>>, %arg6: memref<128x128xf32, #tpu.memory_space<vmem>>, %arg7: memref<1x128xf32, #tpu.memory_space<vmem>>, %arg8: memref<10000x128xf32, #tpu.memory_space<vmem>>, %arg9: memref<8x128xf32, #tpu.memory_space<vmem>>) attributes {dimension_semantics = [#tpu.dimension_semantics<arbitrary>], iteration_bounds = array<i64: 1>, scalar_prefetch = 0 : i64, scratch_operands = 0 : i64, tpu.core_type = #tpu.core_type<tc>, window_params = [{transform_indices = @transform_0, window_bounds = array<i64: 10000, 128>}, {transform_indices = @transform_1, window_bounds = array<i64: 10000, 128>}, {transform_indices = @transform_2, window_bounds = array<i64: 10000, 128>}, {pipeline_mode = #tpu.pipeline_mode<synchronous>, transform_indices = @transform_3, window_bounds = array<i64: 128, 128>}, {pipeline_mode = #tpu.pipeline_mode<synchronous>, transform_indices = @transform_4, window_bounds = array<i64: 1, 128>}, {pipeline_mode = #tpu.pipeline_mode<synchronous>, transform_indices = @transform_5, window_bounds = array<i64: 128, 128>}, {pipeline_mode = #tpu.pipeline_mode<synchronous>, transform_indices = @transform_6, window_bounds = array<i64: 1, 128>}, {transform_indices = @transform_7, window_bounds = array<i64: 10000, 128>}, {pipeline_mode = #tpu.pipeline_mode<synchronous>, transform_indices = @transform_8, window_bounds = array<i64: 8, 128>}]} {
    %get3A = arith.constant 0 : index
    %get3A_0 = arith.constant 0 : index
    %get3A_1 = vector.load %arg1[%get3A, %get3A_0] : memref<10000x128xf32, #tpu.memory_space<vmem>>, vector<10000x128xf32>
    %get3A_2 = arith.constant 0 : index
    %get3A_3 = arith.constant 0 : index
    %get3A_4 = vector.load %arg2[%get3A_2, %get3A_3] : memref<10000x128xf32, #tpu.memory_space<vmem>>, vector<10000x128xf32>
    %add3A = arith.addf %get3A_1, %get3A_4 : vector<10000x128xf32>
    %get3A_5 = arith.constant 0 : index
    %get3A_6 = arith.constant 0 : index
    %get3A_7 = vector.load %arg4[%get3A_5, %get3A_6] : memref<128x128xf32, #tpu.memory_space<vmem>>, vector<128x128xf32>
    %dot_general3A = arith.constant dense<0.000000e+00> : vector<10000x128xf32>
    %dot_general3A_8 = tpu.matmul %add3A, %get3A_7, %dot_general3A {dimension_numbers = #tpu.dot_dimension_numbers<[1], [0], [0], [1], [0, 0, 1, 1], [], []>, transpose_lhs_hint = false} : vector<10000x128xf32>, vector<128x128xf32>, vector<10000x128xf32> -> vector<10000x128xf32>
    %get3A_9 = arith.constant 0 : index
    %get3A_10 = arith.constant 0 : index
    %get3A_11 = vector.load %arg5[%get3A_9, %get3A_10] : memref<1x128xf32, #tpu.memory_space<vmem>>, vector<1x128xf32>
    %add3A_12 = vector.broadcast %get3A_11 : vector<1x128xf32> to vector<10000x128xf32>
    %add3A_13 = arith.addf %dot_general3A_8, %add3A_12 : vector<10000x128xf32>
    %max3A = arith.constant 0.000000e+00 : f32
    %max3A_14 = vector.broadcast %max3A : f32 to vector<10000x128xf32>
    %max3A_15 = arith.maximumf %add3A_13, %max3A_14 : vector<10000x128xf32>
    %get3A_16 = arith.constant 0 : index
    %get3A_17 = arith.constant 0 : index
    %get3A_18 = vector.load %arg3[%get3A_16, %get3A_17] : memref<10000x128xf32, #tpu.memory_space<vmem>>, vector<10000x128xf32>
    %get3A_19 = arith.constant 0 : index
    %get3A_20 = arith.constant 0 : index
    %get3A_21 = vector.load %arg6[%get3A_19, %get3A_20] : memref<128x128xf32, #tpu.memory_space<vmem>>, vector<128x128xf32>
    %dot_general3A_22 = arith.constant dense<0.000000e+00> : vector<10000x128xf32>
    %dot_general3A_23 = tpu.matmul %get3A_18, %get3A_21, %dot_general3A_22 {dimension_numbers = #tpu.dot_dimension_numbers<[1], [0], [0], [1], [0, 0, 1, 1], [], []>, transpose_lhs_hint = false} : vector<10000x128xf32>, vector<128x128xf32>, vector<10000x128xf32> -> vector<10000x128xf32>
    %get3A_24 = arith.constant 0 : index
    %get3A_25 = arith.constant 0 : index
    %get3A_26 = vector.load %arg7[%get3A_24, %get3A_25] : memref<1x128xf32, #tpu.memory_space<vmem>>, vector<1x128xf32>
    %add3A_27 = vector.broadcast %get3A_26 : vector<1x128xf32> to vector<10000x128xf32>
    %add3A_28 = arith.addf %dot_general3A_23, %add3A_27 : vector<10000x128xf32>
    %max3A_29 = arith.constant 0.000000e+00 : f32
    %max3A_30 = vector.broadcast %max3A_29 : f32 to vector<10000x128xf32>
    %max3A_31 = arith.maximumf %add3A_28, %max3A_30 : vector<10000x128xf32>
    %add3A_32 = arith.addf %max3A_15, %max3A_31 : vector<10000x128xf32>
    %swap3A = arith.constant 0 : index
    %swap3A_33 = arith.constant 0 : index
    %swap3A_34 = vector.load %arg8[%swap3A, %swap3A_33] : memref<10000x128xf32, #tpu.memory_space<vmem>>, vector<10000x128xf32>
    tpu.vector_store %arg8[%swap3A, %swap3A_33], %add3A_32 {strides = array<i32>} : memref<10000x128xf32, #tpu.memory_space<vmem>>, vector<10000x128xf32>,
    %eq3A = arith.constant 0 : i32
    %eq3A_35 = arith.cmpi eq, %arg0, %eq3A : i32
    %convert_element_type3A = arith.extui %eq3A_35 : i1 to i32
    %cond3A = arith.constant 0 : i32
    %cond3A_36 = arith.cmpi ne, %convert_element_type3A, %cond3A : i32
    scf.if %cond3A_36 {
      %broadcast_in_dim3A_55 = arith.constant 0.000000e+00 : f32
      %broadcast_in_dim3A_56 = vector.broadcast %broadcast_in_dim3A_55 : f32 to vector<8x128xf32>
      %swap3A_57 = arith.constant 0 : index
      %swap3A_58 = arith.constant 0 : index
      %swap3A_59 = vector.load %arg9[%swap3A_57, %swap3A_58] : memref<8x128xf32, #tpu.memory_space<vmem>>, vector<8x128xf32>
      tpu.vector_store %arg9[%swap3A_57, %swap3A_58], %broadcast_in_dim3A_56 {strides = array<i32>} : memref<8x128xf32, #tpu.memory_space<vmem>>, vector<8x128xf32>,
    } else {
    }
    %get3A_37 = arith.constant 0 : index
    %get3A_38 = arith.constant 0 : index
    %get3A_39 = vector.load %arg9[%get3A_37, %get3A_38] : memref<8x128xf32, #tpu.memory_space<vmem>>, vector<1x128xf32>
    %reduce_sum3A = arith.constant dense<0.000000e+00> : vector<128xf32>
    %reduce_sum3A_40 = vector.multi_reduction <add>, %add3A_32, %reduce_sum3A [0] : vector<10000x128xf32> to vector<128xf32>
    %broadcast_in_dim3A = vector.shape_cast %reduce_sum3A_40 : vector<128xf32> to vector<1x128xf32>
    %add3A_41 = arith.addf %get3A_39, %broadcast_in_dim3A : vector<1x128xf32>
    %swap3A_42 = arith.constant 0 : index
    %swap3A_43 = arith.constant 0 : index
    %swap3A_44 = vector.load %arg9[%swap3A_42, %swap3A_43] : memref<8x128xf32, #tpu.memory_space<vmem>>, vector<1x128xf32>
    tpu.vector_store %arg9[%swap3A_42, %swap3A_43], %add3A_41 {strides = array<i32>} : memref<8x128xf32, #tpu.memory_space<vmem>>, vector<1x128xf32>,
    %get3A_45 = arith.constant 1 : index
    %get3A_46 = arith.constant 0 : index
    %get3A_47 = vector.load %arg9[%get3A_45, %get3A_46] : memref<8x128xf32, #tpu.memory_space<vmem>>, vector<1x128xf32>
    %mul3A = arith.mulf %add3A_32, %add3A_32 : vector<10000x128xf32>
    %reduce_sum3A_48 = arith.constant dense<0.000000e+00> : vector<128xf32>
    %reduce_sum3A_49 = vector.multi_reduction <add>, %mul3A, %reduce_sum3A_48 [0] : vector<10000x128xf32> to vector<128xf32>
    %broadcast_in_dim3A_50 = vector.shape_cast %reduce_sum3A_49 : vector<128xf32> to vector<1x128xf32>
    %add3A_51 = arith.addf %get3A_47, %broadcast_in_dim3A_50 : vector<1x128xf32>
    %swap3A_52 = arith.constant 1 : index
    %swap3A_53 = arith.constant 0 : index
    %swap3A_54 = vector.load %arg9[%swap3A_52, %swap3A_53] : memref<8x128xf32, #tpu.memory_space<vmem>>, vector<1x128xf32>
    tpu.vector_store %arg9[%swap3A_52, %swap3A_53], %add3A_51 {strides = array<i32>} : memref<8x128xf32, #tpu.memory_space<vmem>>, vector<1x128xf32>,
    return
  }
  func.func @transform_0(%arg0: i32) -> (i32, i32) {
    %c0_i32 = arith.constant 0 : i32
    %c0_i32_0 = arith.constant 0 : i32
    return %arg0, %c0_i32 : i32, i32
  }
  func.func @transform_1(%arg0: i32) -> (i32, i32) {
    %c0_i32 = arith.constant 0 : i32
    %c0_i32_0 = arith.constant 0 : i32
    return %arg0, %c0_i32 : i32, i32
  }
  func.func @transform_2(%arg0: i32) -> (i32, i32) {
    %c0_i32 = arith.constant 0 : i32
    %c0_i32_0 = arith.constant 0 : i32
    return %arg0, %c0_i32 : i32, i32
  }
  func.func @transform_3(%arg0: i32) -> (i32, i32) {
    %c0_i32 = arith.constant 0 : i32
    %c0_i32_0 = arith.constant 0 : i32
    %c0_i32_1 = arith.constant 0 : i32
    return %c0_i32, %c0_i32_0 : i32, i32
  }
  func.func @transform_4(%arg0: i32) -> (i32, i32) {
    %c0_i32 = arith.constant 0 : i32
    %c0_i32_0 = arith.constant 0 : i32
    %c0_i32_1 = arith.constant 0 : i32
    return %c0_i32, %c0_i32_0 : i32, i32
  }
  func.func @transform_5(%arg0: i32) -> (i32, i32) {
    %c0_i32 = arith.constant 0 : i32
    %c0_i32_0 = arith.constant 0 : i32
    %c0_i32_1 = arith.constant 0 : i32
    return %c0_i32, %c0_i32_0 : i32, i32
  }
  func.func @transform_6(%arg0: i32) -> (i32, i32) {
    %c0_i32 = arith.constant 0 : i32
    %c0_i32_0 = arith.constant 0 : i32
    %c0_i32_1 = arith.constant 0 : i32
    return %c0_i32, %c0_i32_0 : i32, i32
  }
  func.func @transform_7(%arg0: i32) -> (i32, i32) {
    %c0_i32 = arith.constant 0 : i32
    %c0_i32_0 = arith.constant 0 : i32
    return %arg0, %c0_i32 : i32, i32
  }
  func.func @transform_8(%arg0: i32) -> (i32, i32) {
    %c0_i32 = arith.constant 0 : i32
    %c0_i32_0 = arith.constant 0 : i32
    %c0_i32_1 = arith.constant 0 : i32
    return %c0_i32, %c0_i32_0 : i32, i32
  }
}

module attributes {stable_mosaic.version = 14 : i64} {
  func.func @_bn_readout(%arg0: i32, %arg1: memref<10000x128xf32, #tpu.memory_space<vmem>>, %arg2: memref<8x128xf32, #tpu.memory_space<vmem>>, %arg3: memref<1x128xf32, #tpu.memory_space<vmem>>, %arg4: memref<1x128xf32, #tpu.memory_space<vmem>>, %arg5: memref<128x128xf32, #tpu.memory_space<vmem>>, %arg6: memref<1x128xf32, #tpu.memory_space<vmem>>, %arg7: memref<8x128xf32, #tpu.memory_space<vmem>>, %arg8: memref<8x128xf32, #tpu.memory_space<vmem>>) attributes {dimension_semantics = [#tpu.dimension_semantics<arbitrary>], iteration_bounds = array<i64: 1>, scalar_prefetch = 0 : i64, scratch_operands = 0 : i64, tpu.core_type = #tpu.core_type<tc>, window_params = [{transform_indices = @transform_0, window_bounds = array<i64: 10000, 128>}, {pipeline_mode = #tpu.pipeline_mode<synchronous>, transform_indices = @transform_1, window_bounds = array<i64: 8, 128>}, {pipeline_mode = #tpu.pipeline_mode<synchronous>, transform_indices = @transform_2, window_bounds = array<i64: 1, 128>}, {pipeline_mode = #tpu.pipeline_mode<synchronous>, transform_indices = @transform_3, window_bounds = array<i64: 1, 128>}, {pipeline_mode = #tpu.pipeline_mode<synchronous>, transform_indices = @transform_4, window_bounds = array<i64: 128, 128>}, {pipeline_mode = #tpu.pipeline_mode<synchronous>, transform_indices = @transform_5, window_bounds = array<i64: 1, 128>}, {pipeline_mode = #tpu.pipeline_mode<synchronous>, transform_indices = @transform_6, window_bounds = array<i64: 8, 128>}, {pipeline_mode = #tpu.pipeline_mode<synchronous>, transform_indices = @transform_7, window_bounds = array<i64: 8, 128>}]} {
    %get3A = arith.constant 0 : index
    %get3A_0 = arith.constant 0 : index
    %get3A_1 = vector.load %arg2[%get3A, %get3A_0] : memref<8x128xf32, #tpu.memory_space<vmem>>, vector<1x128xf32>
    %mul3A = arith.constant 9.99999974E-5 : f32
    %mul3A_2 = vector.broadcast %mul3A : f32 to vector<1x128xf32>
    %mul3A_3 = arith.mulf %get3A_1, %mul3A_2 : vector<1x128xf32>
    %get3A_4 = arith.constant 1 : index
    %get3A_5 = arith.constant 0 : index
    %get3A_6 = vector.load %arg2[%get3A_4, %get3A_5] : memref<8x128xf32, #tpu.memory_space<vmem>>, vector<1x128xf32>
    %mul3A_7 = arith.constant 9.99999974E-5 : f32
    %mul3A_8 = vector.broadcast %mul3A_7 : f32 to vector<1x128xf32>
    %mul3A_9 = arith.mulf %get3A_6, %mul3A_8 : vector<1x128xf32>
    %mul3A_10 = arith.mulf %mul3A_3, %mul3A_3 : vector<1x128xf32>
    %sub3A = arith.subf %mul3A_9, %mul3A_10 : vector<1x128xf32>
    %get3A_11 = arith.constant 0 : index
    %get3A_12 = arith.constant 0 : index
    %get3A_13 = vector.load %arg3[%get3A_11, %get3A_12] : memref<1x128xf32, #tpu.memory_space<vmem>>, vector<1x128xf32>
    %add3A = arith.constant 9.99999974E-6 : f32
    %add3A_14 = vector.broadcast %add3A : f32 to vector<1x128xf32>
    %add3A_15 = arith.addf %sub3A, %add3A_14 : vector<1x128xf32>
    %rsqrt3A = math.rsqrt %add3A_15 : vector<1x128xf32>
    %mul3A_16 = arith.mulf %get3A_13, %rsqrt3A : vector<1x128xf32>
    %get3A_17 = arith.constant 0 : index
    %get3A_18 = arith.constant 0 : index
    %get3A_19 = vector.load %arg1[%get3A_17, %get3A_18] : memref<10000x128xf32, #tpu.memory_space<vmem>>, vector<10000x128xf32>
    %sub3A_20 = vector.broadcast %mul3A_3 : vector<1x128xf32> to vector<10000x128xf32>
    %sub3A_21 = arith.subf %get3A_19, %sub3A_20 : vector<10000x128xf32>
    %mul3A_22 = vector.broadcast %mul3A_16 : vector<1x128xf32> to vector<10000x128xf32>
    %mul3A_23 = arith.mulf %sub3A_21, %mul3A_22 : vector<10000x128xf32>
    %get3A_24 = arith.constant 0 : index
    %get3A_25 = arith.constant 0 : index
    %get3A_26 = vector.load %arg4[%get3A_24, %get3A_25] : memref<1x128xf32, #tpu.memory_space<vmem>>, vector<1x128xf32>
    %add3A_27 = vector.broadcast %get3A_26 : vector<1x128xf32> to vector<10000x128xf32>
    %add3A_28 = arith.addf %mul3A_23, %add3A_27 : vector<10000x128xf32>
    %get3A_29 = arith.constant 0 : index
    %get3A_30 = arith.constant 0 : index
    %get3A_31 = vector.load %arg5[%get3A_29, %get3A_30] : memref<128x128xf32, #tpu.memory_space<vmem>>, vector<128x128xf32>
    %dot_general3A = arith.constant dense<0.000000e+00> : vector<10000x128xf32>
    %dot_general3A_32 = tpu.matmul %add3A_28, %get3A_31, %dot_general3A {dimension_numbers = #tpu.dot_dimension_numbers<[1], [0], [0], [1], [0, 0, 1, 1], [], []>, transpose_lhs_hint = false} : vector<10000x128xf32>, vector<128x128xf32>, vector<10000x128xf32> -> vector<10000x128xf32>
    %get3A_33 = arith.constant 0 : index
    %get3A_34 = arith.constant 0 : index
    %get3A_35 = vector.load %arg6[%get3A_33, %get3A_34] : memref<1x128xf32, #tpu.memory_space<vmem>>, vector<1x128xf32>
    %add3A_36 = vector.broadcast %get3A_35 : vector<1x128xf32> to vector<10000x128xf32>
    %add3A_37 = arith.addf %dot_general3A_32, %add3A_36 : vector<10000x128xf32>
    %slice3A = vector.extract_strided_slice %add3A_37 {offsets = [0, 0], sizes = [10000, 1], strides = [1, 1]} : vector<10000x128xf32> to vector<10000x1xf32>
    %logistic3A = arith.negf %slice3A : vector<10000x1xf32>
    %logistic3A_38 = math.exp %logistic3A : vector<10000x1xf32>
    %logistic3A_39 = arith.constant 1.000000e+00 : f32
    %logistic3A_40 = vector.broadcast %logistic3A_39 : f32 to vector<10000x1xf32>
    %logistic3A_41 = arith.addf %logistic3A_40, %logistic3A_38 : vector<10000x1xf32>
    %logistic3A_42 = arith.divf %logistic3A_40, %logistic3A_41 : vector<10000x1xf32>
    %mul3A_43 = vector.broadcast %logistic3A_42 : vector<10000x1xf32> to vector<10000x128xf32>
    %mul3A_44 = arith.mulf %mul3A_43, %add3A_28 : vector<10000x128xf32>
    %reduce_sum3A = arith.constant dense<0.000000e+00> : vector<128xf32>
    %reduce_sum3A_45 = vector.multi_reduction <add>, %mul3A_44, %reduce_sum3A [0] : vector<10000x128xf32> to vector<128xf32>
    %broadcast_in_dim3A = vector.shape_cast %reduce_sum3A_45 : vector<128xf32> to vector<1x128xf32>
    %reduce_max3A = arith.constant dense<0xFF800000> : vector<128xf32>
    %reduce_max3A_46 = vector.multi_reduction <maximumf>, %add3A_28, %reduce_max3A [0] : vector<10000x128xf32> to vector<128xf32>
    %broadcast_in_dim3A_47 = vector.shape_cast %reduce_max3A_46 : vector<128xf32> to vector<1x128xf32>
    %eq3A = arith.constant 0 : i32
    %eq3A_48 = arith.cmpi eq, %arg0, %eq3A : i32
    %convert_element_type3A = arith.extui %eq3A_48 : i1 to i32
    %cond3A = arith.constant 0 : i32
    %cond3A_49 = arith.cmpi ne, %convert_element_type3A, %cond3A : i32
    scf.if %cond3A_49 {
      %broadcast_in_dim3A_62 = arith.constant 0.000000e+00 : f32
      %broadcast_in_dim3A_63 = vector.broadcast %broadcast_in_dim3A_62 : f32 to vector<8x128xf32>
      %swap3A_64 = arith.constant 0 : index
      %swap3A_65 = arith.constant 0 : index
      %swap3A_66 = vector.load %arg7[%swap3A_64, %swap3A_65] : memref<8x128xf32, #tpu.memory_space<vmem>>, vector<8x128xf32>
      tpu.vector_store %arg7[%swap3A_64, %swap3A_65], %broadcast_in_dim3A_63 {strides = array<i32>} : memref<8x128xf32, #tpu.memory_space<vmem>>, vector<8x128xf32>,
      %broadcast_in_dim3A_67 = arith.constant 0xFF800000 : f32
      %broadcast_in_dim3A_68 = vector.broadcast %broadcast_in_dim3A_67 : f32 to vector<8x128xf32>
      %swap3A_69 = arith.constant 0 : index
      %swap3A_70 = arith.constant 0 : index
      %swap3A_71 = vector.load %arg8[%swap3A_69, %swap3A_70] : memref<8x128xf32, #tpu.memory_space<vmem>>, vector<8x128xf32>
      tpu.vector_store %arg8[%swap3A_69, %swap3A_70], %broadcast_in_dim3A_68 {strides = array<i32>} : memref<8x128xf32, #tpu.memory_space<vmem>>, vector<8x128xf32>,
    } else {
    }
    %get3A_50 = arith.constant 0 : index
    %get3A_51 = arith.constant 0 : index
    %get3A_52 = vector.load %arg7[%get3A_50, %get3A_51] : memref<8x128xf32, #tpu.memory_space<vmem>>, vector<1x128xf32>
    %add3A_53 = arith.addf %get3A_52, %broadcast_in_dim3A : vector<1x128xf32>
    %swap3A = arith.constant 0 : index
    %swap3A_54 = arith.constant 0 : index
    %swap3A_55 = vector.load %arg7[%swap3A, %swap3A_54] : memref<8x128xf32, #tpu.memory_space<vmem>>, vector<1x128xf32>
    tpu.vector_store %arg7[%swap3A, %swap3A_54], %add3A_53 {strides = array<i32>} : memref<8x128xf32, #tpu.memory_space<vmem>>, vector<1x128xf32>,
    %get3A_56 = arith.constant 0 : index
    %get3A_57 = arith.constant 0 : index
    %get3A_58 = vector.load %arg8[%get3A_56, %get3A_57] : memref<8x128xf32, #tpu.memory_space<vmem>>, vector<1x128xf32>
    %max3A = arith.maximumf %get3A_58, %broadcast_in_dim3A_47 : vector<1x128xf32>
    %swap3A_59 = arith.constant 0 : index
    %swap3A_60 = arith.constant 0 : index
    %swap3A_61 = vector.load %arg8[%swap3A_59, %swap3A_60] : memref<8x128xf32, #tpu.memory_space<vmem>>, vector<1x128xf32>
    tpu.vector_store %arg8[%swap3A_59, %swap3A_60], %max3A {strides = array<i32>} : memref<8x128xf32, #tpu.memory_space<vmem>>, vector<1x128xf32>,
    return
  }
  func.func @transform_0(%arg0: i32) -> (i32, i32) {
    %c0_i32 = arith.constant 0 : i32
    %c0_i32_0 = arith.constant 0 : i32
    return %arg0, %c0_i32 : i32, i32
  }
  func.func @transform_1(%arg0: i32) -> (i32, i32) {
    %c0_i32 = arith.constant 0 : i32
    %c0_i32_0 = arith.constant 0 : i32
    %c0_i32_1 = arith.constant 0 : i32
    return %c0_i32, %c0_i32_0 : i32, i32
  }
  func.func @transform_2(%arg0: i32) -> (i32, i32) {
    %c0_i32 = arith.constant 0 : i32
    %c0_i32_0 = arith.constant 0 : i32
    %c0_i32_1 = arith.constant 0 : i32
    return %c0_i32, %c0_i32_0 : i32, i32
  }
  func.func @transform_3(%arg0: i32) -> (i32, i32) {
    %c0_i32 = arith.constant 0 : i32
    %c0_i32_0 = arith.constant 0 : i32
    %c0_i32_1 = arith.constant 0 : i32
    return %c0_i32, %c0_i32_0 : i32, i32
  }
  func.func @transform_4(%arg0: i32) -> (i32, i32) {
    %c0_i32 = arith.constant 0 : i32
    %c0_i32_0 = arith.constant 0 : i32
    %c0_i32_1 = arith.constant 0 : i32
    return %c0_i32, %c0_i32_0 : i32, i32
  }
  func.func @transform_5(%arg0: i32) -> (i32, i32) {
    %c0_i32 = arith.constant 0 : i32
    %c0_i32_0 = arith.constant 0 : i32
    %c0_i32_1 = arith.constant 0 : i32
    return %c0_i32, %c0_i32_0 : i32, i32
  }
  func.func @transform_6(%arg0: i32) -> (i32, i32) {
    %c0_i32 = arith.constant 0 : i32
    %c0_i32_0 = arith.constant 0 : i32
    %c0_i32_1 = arith.constant 0 : i32
    return %c0_i32, %c0_i32_0 : i32, i32
  }
  func.func @transform_7(%arg0: i32) -> (i32, i32) {
    %c0_i32 = arith.constant 0 : i32
    %c0_i32_0 = arith.constant 0 : i32
    %c0_i32_1 = arith.constant 0 : i32
    return %c0_i32, %c0_i32_0 : i32, i32
  }
}

</mosaic_0001>

<sc_bundles>
// kernel: kernel.11.cloned.1.call-start
scs
__scs_entry_jumppad:
0x0: {  	(pc) =	sbr.rel $0x88, $3  }
0x1: {  	(tag) =	ssettag $0x0;
	lr =	simm.s32 $0x1  }
0x2: {  	[smem:$0x3F91] =	sst lr;
	_ =	strace $0xD0000000  }
0x3: {  	_ = 	snop  }
0x4: {  	_ = 	snop  }
0x5: {  	_ = 	snop  }
0x6: {  	_ = 	snop  }
0x7: {  	_ = 	snop  }
__scs_overlays_trampoline_lowered:
0x8: {  	[smem:$0x3FA0] =	sst s0  }
0x9: {  	[smem:$0x3FA1] =	sst s1  }
0xa: {  	[smem:$0x3FA2] =	sst s2  }
0xb: {  	[smem:$0x3FA3] =	sst s3  }
0xc: {  	[smem:$0x3FA4] =	sst s4  }
0xd: {  	[smem:$0x3FA5] =	sst s5  }
0xe: {  	[smem:$0x3FA6] =	sst s6  }
0xf: {  	[smem:$0x3FA7] =	sst s7  }
0x10: {  	[smem:$0x3FA8] =	sst s8  }
0x11: {  	[smem:$0x3FA9] =	sst s9;
	s0 =	simm.s32 @!p0 $0x0  }
0x12: {  	s1 =	sld [smem:$0x3F8F];
	s0 =	simm.s32 @p0 $0x1  }
0x13: {  	[smem:$0x3FAA] =	sst s0;
	s0 =	simm.s32 @!p1 $0x0  }
0x14: {  	s2 =	sld [smem:$0x3F8E];
	s0 =	simm.s32 @p1 $0x1  }
0x15: {  	[smem:$0x3FAB] =	sst s0;
	s0 =	simm.s32 @!p2 $0x0  }
0x16: {  	s3 =	sld [smem:$0x3FDB];
	s0 =	simm.s32 @p2 $0x1  }
0x17: {  	s4 =	simm.s32 $0x1BF5;
	[smem:$0x3FAD] =	sst s0  }
0x18: {  	s0 =	sld [smem:$0x3F90];
	_ =	swait.ge [sflag:s4], $0x0  }
0x19: {  	s7 =	sld [smem:$0x3F91]  }
0x1a: {  	s8 =	sadd.s32 $0xFFFFE003, lr  }
0x1b: {  	s9 =	sadd.s32 $0xFFFFFEF7, lr;
	s5 =	simm.s32 $0xFFFFFFFF;
	p2 =	slt.u32 s8, $0xFFFFF086  }
0x1c: {  	p1 =	slt.u32 s9, $0xF7A;
	s5 =	simm.s32 @!p2 $0x0  }
0x1d: {  	s5 =	simm.s32 @p1 $0x1;
	p0 =	seq.s32 s7, s2  }
0x1e: {  	s7 =	smul.u32 @!p0 $0xF7A, s2;
	p2 =	seq.s32 @!p0 s5, $0x0  }
0x1f: {  	s9 =	smul.u32 $0xF7A, s1;
	s8 =	simm.s32 @!p0 $0x1BF5;
	p2 =	por !p2, p0  }
0x20: {  	[sflag:s8] =	ssyncset.s32 @!p0 $0xFFFFF086;
	s6 =	sadd.s32 @!p0 s3, s7;
	s7 =	simm.s32 @!p0 $0x108  }
0x21: {  	s3 =	sadd.s32 s3, s9;
	s6 =	sadd.s32 @!p0 $0x88, s6;
	s7 =	simm.s32 @p2 $0x1082  }
0x22: {  	[simem:s7], [sflag:s8] =	dma.local @!p0 [hbm:s6], $0xF7A  }
0x23: {  	s9 =	sor.u32 $0xD0000000, s2;
	s6 =	simm.s32 $0x108;
	_ =	swait.ge @!p0 [sflag:s8], $0x0  }
0x24: {  	s3 =	sadd.s32 $0x88, s3;
	s6 =	simm.s32 @!p1 $0x1082;
	[sflag:s4] =	ssyncset.s32 $0xFFFFF086  }
0x25: {  	[simem:s6], [sflag:s4] =	dma.local [hbm:s3], $0xF7A  }
0x26: {  	[smem:$0x3F91] =	sst s1;
	(tag) =	ssettag s2;
	_ =	strace s9  }
0x27: {  	s1 =	sld [smem:$0x3FA1]  }
0x28: {  	s2 =	sld [smem:$0x3FA2]  }
0x29: {  	s4 =	sld [smem:$0x3FA4]  }
0x2a: {  	p0 =	seq.s32 s5, $0x0;
	s5 =	sld [smem:$0x3FA5]  }
0x2b: {  	s6 =	sld [smem:$0x3FA6]  }
0x2c: {  	s7 =	sld [smem:$0x3FA7]  }
0x2d: {  	s3 =	simm.s32 $0x108;
	s8 =	sld [smem:$0x3FA8]  }
0x2e: {  	s3 =	simm.s32 @!p0 $0x1082;
	s9 =	sld [smem:$0x3FA9]  }
0x2f: {  	lr =	sadd.s32 s0, s3;
	s0 =	sld [smem:$0x3FA0]  }
0x30: {  	s3 =	sld [smem:$0x3FA3]  }
0x31: {  	[smem:$0x3FAC] =	sst s10  }
0x32: {  	s10 =	sld [smem:$0x3FAA];
	_ =	sdelay $0x3  }
0x33: {  	p0 =	seq.s32 s10, $0x1;
	s10 =	sld [smem:$0x3FAC];
	_ =	sdelay $0x3  }
0x34: {  	[smem:$0x3FAC] =	sst s10  }
0x35: {  	s10 =	sld [smem:$0x3FAB];
	_ =	sdelay $0x3  }
0x36: {  	p1 =	seq.s32 s10, $0x1;
	s10 =	sld [smem:$0x3FAC];
	_ =	sdelay $0x3  }
0x37: {  	[smem:$0x3FAC] =	sst s10  }
0x38: {  	s10 =	sld [smem:$0x3FAD]  }
0x39: {  	_ = 	snop;
	(pc) =	sbr.ind lr, $3  }
0x3a: {  	_ = 	snop  }
0x3b: {  	_ = 	snop  }
0x3c: {  	p2 =	seq.s32 s10, $0x1;
	s10 =	sld [smem:$0x3FAC]  }
0x3d: {  	_ =	shalt  }
0x3e: {  	_ =	shalt  }
0x3f: {  	_ =	shalt  }
0x40: {  	_ =	shalt  }
0x41: {  	_ =	shalt  }
0x42: {  	_ =	shalt  }
0x43: {  	_ =	shalt  }
0x44: {  	_ =	shalt  }
0x45: {  	_ =	shalt  }
0x46: {  	_ =	shalt  }
0x47: {  	_ =	shalt  }
0x48: {  	_ =	shalt  }
0x49: {  	_ =	shalt  }
0x4a: {  	_ =	shalt  }
0x4b: {  	_ =	shalt  }
0x4c: {  	_ =	shalt  }
0x4d: {  	_ =	shalt  }
0x4e: {  	_ =	shalt  }
0x4f: {  	_ =	shalt  }
0x50: {  	_ =	shalt  }
0x51: {  	_ =	shalt  }
0x52: {  	_ =	shalt  }
0x53: {  	_ =	shalt  }
0x54: {  	_ =	shalt  }
0x55: {  	_ =	shalt  }
0x56: {  	_ =	shalt  }
0x57: {  	_ =	shalt  }
0x58: {  	_ =	shalt  }
0x59: {  	_ =	shalt  }
0x5a: {  	_ =	shalt  }
0x5b: {  	_ =	shalt  }
0x5c: {  	_ =	shalt  }
0x5d: {  	_ =	shalt  }
0x5e: {  	_ =	shalt  }
0x5f: {  	_ =	shalt  }
0x60: {  	_ =	shalt  }
0x61: {  	_ =	shalt  }
0x62: {  	_ =	shalt  }
0x63: {  	_ =	shalt  }
0x64: {  	_ =	shalt  }
0x65: {  	_ =	shalt  }
0x66: {  	_ =	shalt  }
0x67: {  	_ =	shalt  }
0x68: {  	_ =	shalt  }
0x69: {  	_ =	shalt  }
0x6a: {  	_ =	shalt  }
0x6b: {  	_ =	shalt  }
0x6c: {  	_ =	shalt  }
0x6d: {  	_ =	shalt  }
0x6e: {  	_ =	shalt  }
0x6f: {  	_ =	shalt  }
0x70: {  	_ =	shalt  }
0x71: {  	_ =	shalt  }
0x72: {  	_ =	shalt  }
0x73: {  	_ =	shalt  }
0x74: {  	_ =	shalt  }
0x75: {  	_ =	shalt  }
0x76: {  	_ =	shalt  }
0x77: {  	_ =	shalt  }
0x78: {  	_ =	shalt  }
0x79: {  	_ =	shalt  }
0x7a: {  	_ =	shalt  }
0x7b: {  	_ =	shalt  }
0x7c: {  	_ =	shalt  }
0x7d: {  	_ =	shalt  }
0x7e: {  	_ =	shalt  }
0x7f: {  	_ =	shalt  }
0x80: {  	_ =	shalt  }
0x81: {  	_ =	shalt  }
0x82: {  	_ =	shalt  }
0x83: {  	_ =	shalt  }
0x84: {  	_ =	shalt  }
0x85: {  	_ =	shalt  }
0x86: {  	_ =	shalt  }
0x87: {  	_ =	shalt  }
.Lfunc_end0:
.L_simem_size_0:
called_computation.1_lowered:
.L_overlay_start_0:
0x88: {  	s2 =	sld [smem:$0x3FD9]  }
0x89: {  	s3 =	sld [smem:$0x3FFE];
	_ =	sdelay $0x1  }
0x8a: {  	s1 =	srdreg.scid  }
0x8b: {  	s0 =	sand.u32 $0x1, s1  }
0x8c: {  	s16 =	sshll.u32 s0, $0xA;
	s2 =	sadd.s32 s3, s2  }
0x8d: {  	s2 =	sadd.s32 s2, s16  }
0x8e: {  	[smem:$0x3FB8] =	sst s2  }
0x8f: {  	_ = 	snop  }
0x90: {  	(tm) =	ssettm $0x1  }
0x91: {  	s17 =	sld [smem:$0x3FFB];
	_ =	sdelay $0x3  }
0x92: {  	_ =	strace s17  }
0x93: {  	s2 =	sld [smem:$0x3FFC];
	_ =	sdelay $0x3  }
0x94: {  	_ =	strace s2  }
0x95: {  	s2 =	sld [smem:$0x3FFD];
	_ =	sdelay $0x3  }
0x96: {  	_ =	strace s2  }
0x97: {  	_ =	strace $0x8FFFFFFF  }
0x98: {  	s18 =	sld [smem:$0x3FDB];
	_ =	sdelay $0x1  }
0x99: {  	s19 =	simm.s32 $_scs_section_size  }
0x9a: {  	s4 =	simm.s32 $_size__tile_overlayer_lowered;
	s5 =	simm.s32 $_tile_overlayer_lowered  }
0x9b: {  	s22 =	simm.s32 $0x1BFF;
	s21 =	sshll.u32 s5, $0x1;
	s2 =	sadd.s32 s19, s18  }
0x9c: {  	s6 =	simm.s32 $0x0;
	s20 =	sshll.u32 s4, $0x1;
	s4 =	sadd.s32 s21, s2  }
0x9d: {  	[timem:s6], [sflag:s22] =	dma.local [hbm:s4], s20  }
0x9e: {  	_ =	swait.ge [sflag:s22], s20  }
0x9f: {  	s3 =	ssub.s32 $0x0, s20;
	[sflag:s22] =	ssyncset.done $0x0  }
0xa0: {  	[sflag:s22] =	ssyncadd.s32 s3;
	_ =	sdelay $0x1  }
0xa1: {  	s23 =	simm.s32 $0x1B8B  }
0xa2: {  	_ =	swait.ge [sflag:s23], $0x1  }
0xa3: {  	[sflag:s23] =	ssyncset.done $0x0  }
0xa4: {  	s25 =	simm.s32 $0x1B8E;
	s24 =	sld [smem:$0x3FFE];
	[sflag:s23] =	ssyncadd.s32 $0xFFFFFFFF  }
0xa5: {  	s26 =	simm.s32 $execute0_lowered;
	[smem:$0x3FD2] =	sst s25  }
0xa6: {  	s4 =	sshll.u32 s26, $0x1;
	_ =	strace $0x80000049;
	[dreg:$0x1] =	wrdreg $0xFFFFFFFF  }
0xa7: {  	s28 =	simm.s32 $_size_execute0_lowered;
	s2 =	sadd.s32 s2, s4;
	[dreg:$0x0] =	wrdreg $0x0  }
0xa8: {  	s4 =	sshll.u32 s28, $0x1;
	[dreg:$0x2] =	wrdreg s2  }
0xa9: {  	[dreg:$0x3] =	wrdreg s4  }
0xaa: {  	[dreg:$0x4] =	wrdreg $0xC0  }
0xab: {  	_ =	task [dreg:s6], $0x5FFFF  }
0xac: {  	[dreg:$0x1] =	wrdreg $0xFFFFFFFF  }
0xad: {  	[dreg:$0x0] =	wrdreg $0x60  }
0xae: {  	[dreg:$0x2] =	wrdreg s24  }
0xaf: {  	[dreg:$0x3] =	wrdreg $0x82000  }
0xb0: {  	[dreg:$0x4] =	wrdreg $0x9  }
0xb1: {  	_ =	task.clear_ibuf [dreg:s6], $0x5FFFF;
	_ =	strace $0x90000049  }
0xb2: {  	s29 =	simm.s32 $0x9;
	_ =	strace $0x8000004B  }
0xb3: {  	_ =	swait.ge [sflag:s29], $0x1  }
0xb4: {  	[sflag:s29] =	ssyncadd.s32 $0xFFFFFFFF  }
0xb5: {  	_ =	strace $0x9000004B  }
0xb6: {  	_ =	sfence  }
0xb7: {  	s30 =	sld [smem:$0x0];
	_ =	sdelay $0x2  }
0xb8: {  	s31 =	sshll.u32 s1, $0xD;
	s1 =	sshrl.u32 s1, $0x2  }
0xb9: {  	s3 =	sand.u32 $0x4000, s31;
	s1 =	sadd.s32 s1, s30  }
0xba: {  	s0 =	sor.u32 s3, s0;
	s1 =	sshll.u32 s1, $0x11  }
0xbb: {  	s0 =	sor.u32 s1, s0  }
0xbc: {  	s0 =	sadd.s32 $0x8F2B, s0  }
0xbd: {  	[sflag:s0] =	ssyncadd.remote.s32 $0x1  }
0xbe: {  	_ =	sfence.sel $0xFFFF  }
0xbf: {  	[dreg:$0x0] =	wrdreg $0xFFFFFFFF;
	(pc) =	sbr.abs _section_cstart, $3  }
0xc0: {  	[dreg:$0x1] =	wrdreg $0xFFFFFFFF  }
0xc1: {  	_ =	task.clear_ibuf [dreg:s6], $0x2FFFF;
	_ =	strace $0x9FFFFFFF  }
0xc2: {  	(tm) =	ssettm $0x7FFFFFFF  }
0xc3: {  	_ =	shalt  }
tec
execute0_lowered:
.L_overlay_start_1:
0x0: {  	(tag) =	ssettag $0x1  }
0x1: {  	s0 =	rddreg [dreg:$0x0]  }
0x2: {  	s1 =	rddreg [dreg:$0x1];
	s2 =	simm.s32 $0x0;
	s12 =	stileid.u32  }
0x3: {  	s4 =	srdreg.scid;
	s10 =	simm.s32 $0x4E;
	s28 =	simm.s32 $0x80  }
0x4: {  	s29 =	simm.s32 $0x100;
	s30 =	simm.s32 $0x180;
	s31 =	simm.s32 $0x1  }
0x5: {  	[smem:$0x7FF] =	sst s2;
	s3 =	sadd.s32 $0x17E00, s0;
	s6 =	smul.u32 $0x4E, s12  }
0x6: {  	s5 =	sadd.s32 $0x4400, s0;
	s13 =	sadd.s32 $0x3F000, s0;
	s7 =	smul.u32 $0x50, s12  }
0x7: {  	s4 =	sand.u32 $0x1, s4;
	s15 =	sadd.s32 $0x66200, s0;
	s8 =	smul.u32 $0x4F000, s12  }
0x8: {  	s16 =	smul.u32 $0x4E000, s12;
	p2 =	seq.s32 s12, $0x0;
	_ =	strace $0x8000004A  }
0x9: {  	s20 =	ssub.s32 $0x2, s4;
	p0 =	seq.s32 s4, $0x0;
	[dreg:$0x4] =	wrdreg s15  }
0xa: {  	[dreg:$0x3] =	wrdreg s13;
	p1 =	sne.s32 s4, $0x0;
	s9 =	sshrl.u32 s20, $0x1  }
0xb: {  	s7 =	sadd.s32 $0x4E0, s7;
	s21 =	sshrl.u32 s8, $0x2;
	s10 =	simm.s32 @!p0 $0x50  }
0xc: {  	s7 =	smov.u32 @p0 s6;
	s8 =	sadd.s32 s21, s1;
	s0 =	ssub.s32 s20, s9  }
0xd: {  	s20 =	smul.u32 $0x2700, s12;
	s21 =	sshrl.u32 s16, $0x2;
	s6 =	sadd.s32 $0x4000, s8  }
0xe: {  	p0 =	sne.s32 s12, $0x0;
	s22 =	sadd.s32 $0x8000, s8;
	[dreg:$0x5] =	wrdreg s6  }
0xf: {  	s11 =	ssub.s32 $0x9C4, s7;
	s23 =	sadd.s32 $0xC000, s8;
	[dreg:$0x6] =	wrdreg s22  }
0x10: {  	s24 =	sshll.u32 s7, $0x7;
	s25 =	sadd.s32 $0x10000, s8;
	[dreg:$0x7] =	wrdreg s23  }
0x11: {  	s7 =	sshll.u32 s7, $0x4;
	s9 =	smin.u32 s10, s11;
	[dreg:$0x8] =	wrdreg s25  }
0x12: {  	s26 =	sshrl.u32 s24, $0x3;
	s14 =	sadd.s32 s5, s7;
	s22 =	sadd.s32 s15, s20  }
0x13: {  	s23 =	sadd.s32 $0x138000, s1;
	s25 =	sadd.s32 s13, s20;
	s6 =	simm.s32 $0x3  }
0x14: {  	s7 =	simm.s32 $0x4;
	s20 =	simm.s32 $0x0;
	[dreg:$0xb] =	wrdreg s22  }
0x15: {  	s10 =	sadd.s32 s5, s26;
	s19 =	sadd.s32 $0x10, s14;
	[dreg:$0xc] =	wrdreg s25  }
.Ltmp0:
0x16: {  	s22 =	smax.u32 s0, $0x1;
	s26 =	sshrl.u32 s23, $0x3;
	(pc) =	sbr.rel .LBB2_1-.Ltmp0, $4  }
0x17: {  	s0 =	simm.s32 $0x2;
	s25 =	simm.s32 $0x4200;
	s18 =	sadd.s32 $0x9C40, s10  }
0x18: {  	[dreg:$0xa] =	wrdreg s19;
	s17 =	sadd.s32 $0x9C50, s10;
	s19 =	sadd.s32 s21, s1  }
0x19: {  	s10 =	sadd.s32 $0x4E380, s24;
	s24 =	simm.s32 $0x200;
	[dreg:$0xd] =	wrdreg s26  }
0x1a: {  	v0 =	vimm.f32 $0.0e+00;
	s26 =	simm.s32 $0x5;
	[dreg:$0x9] =	wrdreg s18;
	s18 =	sshrl.u32 s9, $0x1  }
.LBB2_8:
0x1b: {  	s11 =	sadd.s32 $0x27000, s11;
	s12 =	rddreg [dreg:$0xd]  }
0x1c: {  	[hbm:s11], [sflag:s4] =	dma.local [spmem:s12], $0x100  }
0x1d: {  	_ =	swait.ge [sflag:s26], $0x100  }
0x1e: {  	[sflag:s26] =	ssyncset.done $0x0  }
0x1f: {  	[sflag:s26] =	ssyncadd.s32 $0xFFFFFF00  }
.LBB2_9:
0x20: {  	s20 =	sadd.s32 $0x1, s20  }
0x21: {  	p3 =	sne.s32 s20, s22  }
.Ltmp1:
0x22: {  	_ = 	snop;
	(pc) =	sbr.rel @!p3 .LBB2_10-.Ltmp1, $1  }
0x23: {  	_ =	sdelay $0x3  }
.LBB2_1:
0x24: {  	s4 =	simm.s32 $0x0;
	s11 =	simm.s32 $0x200  }
.LBB2_2:
0x25: {  	p3 =	sne.s32 s11, $0xFE00;
	[tilespmem:s4+$0x270] =	vst v0  }
0x26: {  	[tilespmem:s4+$0x200] =	vst v0  }
0x27: {  	[tilespmem:s4+$0x210] =	vst v0  }
.Ltmp2:
0x28: {  	[tilespmem:s4+$0x220] =	vst v0;
	(pc) =	sbr.rel @p3 .LBB2_2-.Ltmp2, $4  }
0x29: {  	[tilespmem:s4+$0x230] =	vst v0  }
0x2a: {  	[tilespmem:s4+$0x240] =	vst v0  }
0x2b: {  	[tilespmem:s4+$0x250] =	vst v0  }
0x2c: {  	[tilespmem:s4+$0x260] =	vst v0;
	s4 =	sshra.s32 s11, $0x2;
	s11 =	sadd.s32 $0x200, s11  }
0x2d: {  	[tilespmem:s4+$0x270] =	vst v0  }
0x2e: {  	[tilespmem:s4+$0x200] =	vst v0  }
0x2f: {  	[tilespmem:s4+$0x210] =	vst v0  }
0x30: {  	[tilespmem:s4+$0x220] =	vst v0  }
0x31: {  	[tilespmem:s4+$0x230] =	vst v0  }
0x32: {  	[tilespmem:s4+$0x240] =	vst v0  }
0x33: {  	[tilespmem:s4+$0x250] =	vst v0  }
0x34: {  	[tilespmem:s4+$0x260] =	vst v0  }
0x35: {  	[spmem:s8] =	stream.linear.scatter [tilespmem:s24], [sflag:$0x5], $0x4000, $0x38;
	[tilespmem:$0x1BE00] =	vst v63  }
0x36: {  	_ =	swait.ge [sflag:s26], $0x4000  }
0x37: {  	[sflag:s26] =	ssyncset.done $0x0  }
0x38: {  	s12 =	rddreg [dreg:$0x5];
	[sflag:s26] =	ssyncadd.s32 $0xFFFFC000  }
0x39: {  	[spmem:s12] =	stream.linear.scatter [tilespmem:s24], [sflag:$0x5], $0x4000, $0x38;
	[tilespmem:$0x1BE00] =	vst v63  }
0x3a: {  	_ =	swait.ge [sflag:s26], $0x4000  }
0x3b: {  	[sflag:s26] =	ssyncset.done $0x0  }
0x3c: {  	s13 =	rddreg [dreg:$0x6];
	[sflag:s26] =	ssyncadd.s32 $0xFFFFC000  }
0x3d: {  	[spmem:s13] =	stream.linear.scatter [tilespmem:s24], [sflag:$0x5], $0x4000, $0x38;
	[tilespmem:$0x1BE00] =	vst v63  }
0x3e: {  	_ =	swait.ge [sflag:s26], $0x4000  }
0x3f: {  	[sflag:s26] =	ssyncset.done $0x0  }
0x40: {  	s15 =	rddreg [dreg:$0x7];
	[sflag:s26] =	ssyncadd.s32 $0xFFFFC000  }
0x41: {  	[spmem:s15] =	stream.linear.scatter [tilespmem:s24], [sflag:$0x5], $0x4000, $0x38;
	[tilespmem:$0x1BE00] =	vst v63  }
0x42: {  	_ =	swait.ge [sflag:s26], $0x4000  }
0x43: {  	[sflag:s26] =	ssyncset.done $0x0  }
0x44: {  	s16 =	rddreg [dreg:$0x8];
	[sflag:s26] =	ssyncadd.s32 $0xFFFFC000  }
0x45: {  	[spmem:s16] =	stream.linear.scatter [tilespmem:s24], [sflag:$0x5], $0x3C00, $0x38;
	[tilespmem:$0x1BE00] =	vst v63  }
0x46: {  	_ =	swait.ge [sflag:s26], $0x3C00  }
0x47: {  	[sflag:s26] =	ssyncset.done $0x0  }
0x48: {  	[sflag:s26] =	ssyncadd.s32 $0xFFFFC400  }
0x49: {  	[bflag:$0x0] =	sbarrier.arrive $0xFFFF  }
0x4a: {  	[tilespmem:s2], [sflag:$0x1] =	stream.linear.gather [hbm4b:s14+s2], $0x80, $0x38;
	[tilespmem:$0x1BE00] =	vst v63  }
0x4b: {  	s21 =	rddreg [dreg:$0x9]  }
0x4c: {  	[tilespmem:s28], [sflag:$0x1] =	stream.linear.gather [hbm4b:s21+s2], $0x80, $0x38;
	[tilespmem:$0x1BE00] =	vst v63  }
0x4d: {  	s23 =	rddreg [dreg:$0xa]  }
0x4e: {  	[tilespmem:s29], [sflag:$0x2] =	stream.linear.gather [hbm4b:s23+s2], $0x80, $0x38;
	[tilespmem:$0x1BE00] =	vst v63  }
0x4f: {  	_ = 	snop  }
0x50: {  	[tilespmem:s30], [sflag:$0x2] =	stream.linear.gather [hbm4b:s17+s2], $0x80, $0x38;
	[tilespmem:$0x1BE00] =	vst v63  }
0x51: {  	_ =	swait.ge [sflag:s31], $0x80  }
0x52: {  	[sflag:s31] =	ssyncset.done $0x0  }
0x53: {  	[sflag:s31] =	ssyncadd.s32 $0xFFFFFF80  }
0x54: {  	_ =	swait.ge [sflag:s31], $0x80  }
0x55: {  	[sflag:s31] =	ssyncset.done $0x0  }
0x56: {  	[sflag:s31] =	ssyncadd.s32 $0xFFFFFF80  }
0x57: {  	[tilespmem:s24], [sflag:$0x3] =	stream.indirect.gather [hbm4b:s3+s28], $0x80, s2, s28, $0xb8;
	[tilespmem:$0x1BE00] =	vst v63  }
0x58: {  	_ =	swait.ge [sflag:s0], $0x80  }
0x59: {  	[sflag:s0] =	ssyncset.done $0x0  }
0x5a: {  	[sflag:s0] =	ssyncadd.s32 $0xFFFFFF80  }
0x5b: {  	_ =	swait.ge [sflag:s0], $0x80  }
0x5c: {  	[sflag:s0] =	ssyncset.done $0x0  }
0x5d: {  	[sflag:s0] =	ssyncadd.s32 $0xFFFFFF80  }
0x5e: {  	[tilespmem:s25], [sflag:$0x4] =	stream.indirect.gather [hbm4b:s3+s28], $0x80, s29, s28, $0xb8;
	[tilespmem:$0x1BE00] =	vst v63  }
0x5f: {  	_ =	swait.ge [sflag:s6], $0x4000  }
0x60: {  	[sflag:s6] =	ssyncset.done $0x0  }
0x61: {  	p3 =	sle.u32 s9, $0x2;
	[sflag:s6] =	ssyncadd.s32 $0xFFFFC000  }
0x62: {  	[spmem:s1] =	stream.indirect.scatter.add.f32 [tilespmem:s24], [sflag:$0x5], $0x80, s28, s28, $0xb8;
	[tilespmem:$0x1BE00] =	vst v63  }
0x63: {  	s4 =	sadd.s32 @!p3 $0xFFFB1D80, s10;
	s11 =	sadd.s32 @!p3 $0xFFFFFF80, s10;
	_ =	swait.ge [sflag:s26], $0x4000  }
0x64: {  	s4 =	sshrl.u32 @!p3 s4, $0x3;
	s11 =	sshrl.u32 @!p3 s11, $0x3;
	[sflag:s26] =	ssyncset.done $0x0  }
0x65: {  	s4 =	sadd.s32 @!p3 s5, s4;
	s12 =	simm.s32 @!p3 $0x0;
	[sflag:s26] =	ssyncadd.s32 $0xFFFFC000  }
0x66: {  	[tilespmem:s12], [sflag:$0x1] =	stream.linear.gather @!p3 [hbm4b:s4+s12], $0x80, $0x38;
	[tilespmem:$0x1BE00] =	vst v63  }
0x67: {  	s4 =	sadd.s32 @!p3 s5, s11;
	s11 =	simm.s32 @!p3 $0x80  }
0x68: {  	[tilespmem:s11], [sflag:$0x1] =	stream.linear.gather @!p3 [hbm4b:s4+s12], $0x80, $0x38;
	[tilespmem:$0x1BE00] =	vst v63  }
0x69: {  	_ =	swait.ge [sflag:s7], $0x4000  }
0x6a: {  	p4 =	sle.u32 s9, $0x3;
	s21 =	sadd.s32 $0xFFFFFFFF, s18;
	[sflag:s7] =	ssyncset.done $0x0  }
0x6b: {  	s13 =	sshrl.u32 @!p4 s10, $0x3;
	p3 =	sne.s32 s21, $0x0;
	[sflag:s7] =	ssyncadd.s32 $0xFFFFC000  }
0x6c: {  	[spmem:s1] =	stream.indirect.scatter.add.f32 [tilespmem:s25], [sflag:$0x5], $0x80, s30, s28, $0xb8;
	[tilespmem:$0x1BE00] =	vst v63  }
.Ltmp3:
0x6d: {  	s4 =	sadd.s32 @!p4 $0xFFFB1E00, s10;
	_ =	swait.ge [sflag:s26], $0x4000;
	(pc) =	sbr.rel @!p3 .LBB2_5-.Ltmp3, $4  }
0x6e: {  	s11 =	simm.s32 @!p4 $0x0;
	s4 =	sshrl.u32 @!p4 s4, $0x3;
	[sflag:s26] =	ssyncset.done $0x0  }
0x6f: {  	s12 =	simm.s32 @!p4 $0x100;
	s4 =	sadd.s32 @!p4 s5, s4;
	[sflag:s26] =	ssyncadd.s32 $0xFFFFC000  }
0x70: {  	[tilespmem:s12], [sflag:$0x2] =	stream.linear.gather @!p4 [hbm4b:s4+s11], $0x80, $0x38;
	[tilespmem:$0x1BE00] =	vst v63  }
0x71: {  	s23 =	smov.u32 s10;
	s4 =	simm.s32 $0x4;
	s12 =	simm.s32 @!p4 $0x180  }
.LBB2_4:
0x72: {  	s21 =	sadd.s32 $0xFFFFFFFF, s21;
	s13 =	sadd.s32 @!p4 s5, s13;
	s23 =	sadd.s32 $0x100, s23  }
0x73: {  	[tilespmem:s12], [sflag:$0x2] =	stream.linear.gather @!p4 [hbm4b:s13+s11], $0x80, $0x38;
	[tilespmem:$0x1BE00] =	vst v63  }
0x74: {  	p3 =	sne.s32 s21, $0x0;
	_ =	swait.ge [sflag:s31], $0x80  }
0x75: {  	[sflag:s31] =	ssyncset.done $0x0  }
0x76: {  	[sflag:s31] =	ssyncadd.s32 $0xFFFFFF80  }
0x77: {  	_ =	swait.ge [sflag:s31], $0x80  }
0x78: {  	[sflag:s31] =	ssyncset.done $0x0  }
0x79: {  	[sflag:s31] =	ssyncadd.s32 $0xFFFFFF80  }
0x7a: {  	[tilespmem:s24], [sflag:$0x3] =	stream.indirect.gather [hbm4b:s3+s28], $0x80, s2, s28, $0xb8;
	[tilespmem:$0x1BE00] =	vst v63  }
0x7b: {  	_ =	swait.ge [sflag:s0], $0x80  }
0x7c: {  	[sflag:s0] =	ssyncset.done $0x0  }
0x7d: {  	[sflag:s0] =	ssyncadd.s32 $0xFFFFFF80  }
0x7e: {  	_ =	swait.ge [sflag:s0], $0x80  }
0x7f: {  	[sflag:s0] =	ssyncset.done $0x0  }
0x80: {  	[sflag:s0] =	ssyncadd.s32 $0xFFFFFF80  }
0x81: {  	[tilespmem:s25], [sflag:$0x4] =	stream.indirect.gather [hbm4b:s3+s28], $0x80, s29, s28, $0xb8;
	[tilespmem:$0x1BE00] =	vst v63  }
0x82: {  	_ =	swait.ge [sflag:s6], $0x4000  }
0x83: {  	[sflag:s6] =	ssyncset.done $0x0  }
0x84: {  	p4 =	sge.u32 s4, s9;
	[sflag:s6] =	ssyncadd.s32 $0xFFFFC000  }
0x85: {  	[spmem:s1] =	stream.indirect.scatter.add.f32 [tilespmem:s24], [sflag:$0x5], $0x80, s28, s28, $0xb8;
	[tilespmem:$0x1BE00] =	vst v63  }
0x86: {  	s11 =	sadd.s32 @!p4 $0xFFFB1D80, s23;
	s12 =	sadd.s32 @!p4 $0xFFFFFF80, s23;
	_ =	swait.ge [sflag:s26], $0x4000  }
0x87: {  	s11 =	sshrl.u32 @!p4 s11, $0x3;
	s12 =	sshrl.u32 @!p4 s12, $0x3;
	[sflag:s26] =	ssyncset.done $0x0  }
0x88: {  	s13 =	simm.s32 @!p4 $0x0;
	s11 =	sadd.s32 @!p4 s5, s11;
	[sflag:s26] =	ssyncadd.s32 $0xFFFFC000  }
0x89: {  	[tilespmem:s13], [sflag:$0x1] =	stream.linear.gather @!p4 [hbm4b:s11+s13], $0x80, $0x38;
	[tilespmem:$0x1BE00] =	vst v63  }
0x8a: {  	s11 =	sadd.s32 @!p4 s5, s12;
	s12 =	simm.s32 @!p4 $0x80  }
0x8b: {  	[tilespmem:s12], [sflag:$0x1] =	stream.linear.gather @!p4 [hbm4b:s11+s13], $0x80, $0x38;
	[tilespmem:$0x1BE00] =	vst v63  }
0x8c: {  	_ =	swait.ge [sflag:s7], $0x4000  }
0x8d: {  	[sflag:s7] =	ssyncset.done $0x0  }
0x8e: {  	s11 =	sadd.s32 $0x1, s4;
	s4 =	sadd.s32 $0x2, s4;
	[sflag:s7] =	ssyncadd.s32 $0xFFFFC000  }
0x8f: {  	[spmem:s1] =	stream.indirect.scatter.add.f32 [tilespmem:s25], [sflag:$0x5], $0x80, s30, s28, $0xb8;
	[tilespmem:$0x1BE00] =	vst v63  }
.Ltmp4:
0x90: {  	p4 =	sge.u32 s11, s9;
	_ =	swait.ge [sflag:s26], $0x4000;
	(pc) =	sbr.rel @p3 .LBB2_4-.Ltmp4, $4  }
0x91: {  	s12 =	sadd.s32 @!p4 $0xFFFB1E00, s23;
	s11 =	simm.s32 @!p4 $0x0;
	[sflag:s26] =	ssyncset.done $0x0  }
0x92: {  	s15 =	simm.s32 @!p4 $0x100;
	s12 =	sshrl.u32 @!p4 s12, $0x3;
	[sflag:s26] =	ssyncadd.s32 $0xFFFFC000  }
0x93: {  	s13 =	sshrl.u32 @!p4 s23, $0x3;
	s16 =	sadd.s32 @!p4 s5, s12;
	s12 =	simm.s32 @!p4 $0x180  }
0x94: {  	[tilespmem:s15], [sflag:$0x2] =	stream.linear.gather @!p4 [hbm4b:s16+s11], $0x80, $0x38;
	[tilespmem:$0x1BE00] =	vst v63  }
.LBB2_5:
.Ltmp5:
0x95: {  	(pc) =	sbr.rel @p1 .LBB2_7-.Ltmp5, $4  }
0x96: {  	s4 =	sadd.s32 @!p4 s5, s13;
	s23 =	stileid.u32  }
0x97: {  	[tilespmem:s12], [sflag:$0x2] =	stream.linear.gather @!p4 [hbm4b:s4+s11], $0x80, $0x38;
	[tilespmem:$0x1BE00] =	vst v63  }
0x98: {  	s12 =	sshll.u32 s23, $0x6;
	[bflag:$0x0] =	sbarrier.arrive $0xFFFF  }
0x99: {  	s11 =	sshrl.u32 s19, $0x3;
	s4 =	sor.u32 $0x1C05, s12  }
0x9a: {  	s4 =	sor.u32 $0x1C05, s12;
	s23 =	rddreg [dreg:$0xc]  }
0x9b: {  	[hbm:s23], [sflag:s4] =	dma.local [spmem:s11], $0x2700  }
.Ltmp6:
0x9c: {  	_ = 	snop;
	(pc) =	sbr.rel @!p2 .LBB2_9-.Ltmp6, $4  }
.Ltmp7:
0x9d: {  	_ = 	snop;
	(pc) =	sbr.rel @p2 .LBB2_8-.Ltmp7, $4  }
0x9e: {  	_ =	swait.ge [sflag:s26], $0x2700  }
0x9f: {  	[sflag:s26] =	ssyncset.done $0x0  }
0xa0: {  	s11 =	rddreg [dreg:$0x3];
	[sflag:s26] =	ssyncadd.s32 $0xFFFFD900  }
0xa1: {  	_ = 	snop  }
.LBB2_7:
0xa2: {  	s12 =	rddreg [dreg:$0xb]  }
0xa3: {  	[hbm:s12], [sflag:s4] =	dma.local [spmem:s11], $0x2700  }
.Ltmp8:
0xa4: {  	_ = 	snop;
	(pc) =	sbr.rel @p0 .LBB2_9-.Ltmp8, $4  }
.Ltmp9:
0xa5: {  	_ = 	snop;
	(pc) =	sbr.rel @!p0 .LBB2_8-.Ltmp9, $4  }
0xa6: {  	_ =	swait.ge [sflag:s26], $0x2700  }
0xa7: {  	[sflag:s26] =	ssyncset.done $0x0  }
0xa8: {  	s11 =	rddreg [dreg:$0x4];
	[sflag:s26] =	ssyncadd.s32 $0xFFFFD900  }
0xa9: {  	_ = 	snop  }
.LBB2_10:
0xaa: {  	_ =	sfence.sel $0x180000  }
0xab: {  	[bflag:$0x0] =	sbarrier.arrive $0xFFFF  }
0xac: {  	_ =	strace $0x9000004A  }
0xad: {  	[bflag:$0x2] =	sbarrier.arrive $0xFFFF  }
0xae: {  	s0 =	rddreg [dreg:$0x2]  }
0xaf: {  	s0 =	sadd.s32 @!p0 $0x100000, s0  }
0xb0: {  	[sflag:s0] =	ssyncadd.tile.s32 @!p0 $0x1;
	_ =	shalt  }
.Lfunc_end2:
_tile_overlayer_lowered:
.L_overlay_start_2:
0xb1: {  	(tag) =	ssettag $0x2  }
0xb2: {  	s0 =	rddreg [dreg:$0x0];
	s2 =	stileid.u32  }
0xb3: {  	s1 =	rddreg [dreg:$0x1];
	p0 =	sne.s32 s2, $0x0  }
0xb4: {  	s3 =	rddreg [dreg:$0x2];
	[bflag:$0x3] =	sbarrier.arrive $0xFFFF;
	s2 =	simm.s32 @!p0 $0x1C05  }
0xb5: {  	[timem:s3], [sflag:s2] =	dma.local @!p0 [hbm:s0], s1  }
0xb6: {  	s0 =	simm.s32 @!p0 $0x5  }
0xb7: {  	_ =	swait.ge @!p0 [sflag:s0], s1  }
0xb8: {  	s1 =	ssub.s32 @!p0 $0x0, s1;
	[sflag:s0] =	ssyncset.done @!p0 $0x0  }
0xb9: {  	[sflag:s0] =	ssyncadd.s32 @!p0 s1  }
0xba: {  	[bflag:$0x3] =	sbarrier.arrive $0xFFFF  }
0xbb: {  	_ =	shalt  }

// kernel: kernel.8.cloned.1.call-start
scs
__scs_entry_jumppad:
0x0: {  	(pc) =	sbr.rel $0x88, $3  }
0x1: {  	(tag) =	ssettag $0x0;
	lr =	simm.s32 $0x1  }
0x2: {  	[smem:$0x3F91] =	sst lr;
	_ =	strace $0xD0000000  }
0x3: {  	_ = 	snop  }
0x4: {  	_ = 	snop  }
0x5: {  	_ = 	snop  }
0x6: {  	_ = 	snop  }
0x7: {  	_ = 	snop  }
__scs_overlays_trampoline_lowered:
0x8: {  	[smem:$0x3FA0] =	sst s0  }
0x9: {  	[smem:$0x3FA1] =	sst s1  }
0xa: {  	[smem:$0x3FA2] =	sst s2  }
0xb: {  	[smem:$0x3FA3] =	sst s3  }
0xc: {  	[smem:$0x3FA4] =	sst s4  }
0xd: {  	[smem:$0x3FA5] =	sst s5  }
0xe: {  	[smem:$0x3FA6] =	sst s6  }
0xf: {  	[smem:$0x3FA7] =	sst s7  }
0x10: {  	[smem:$0x3FA8] =	sst s8  }
0x11: {  	[smem:$0x3FA9] =	sst s9;
	s0 =	simm.s32 @!p0 $0x0  }
0x12: {  	s1 =	sld [smem:$0x3F8F];
	s0 =	simm.s32 @p0 $0x1  }
0x13: {  	[smem:$0x3FAA] =	sst s0;
	s0 =	simm.s32 @!p1 $0x0  }
0x14: {  	s2 =	sld [smem:$0x3F8E];
	s0 =	simm.s32 @p1 $0x1  }
0x15: {  	[smem:$0x3FAB] =	sst s0;
	s0 =	simm.s32 @!p2 $0x0  }
0x16: {  	s3 =	sld [smem:$0x3FDB];
	s0 =	simm.s32 @p2 $0x1  }
0x17: {  	s4 =	simm.s32 $0x1BF5;
	[smem:$0x3FAD] =	sst s0  }
0x18: {  	s0 =	sld [smem:$0x3F90];
	_ =	swait.ge [sflag:s4], $0x0  }
0x19: {  	s7 =	sld [smem:$0x3F91]  }
0x1a: {  	s8 =	sadd.s32 $0xFFFFE003, lr  }
0x1b: {  	s9 =	sadd.s32 $0xFFFFFEF7, lr;
	s5 =	simm.s32 $0xFFFFFFFF;
	p2 =	slt.u32 s8, $0xFFFFF086  }
0x1c: {  	p1 =	slt.u32 s9, $0xF7A;
	s5 =	simm.s32 @!p2 $0x0  }
0x1d: {  	s5 =	simm.s32 @p1 $0x1;
	p0 =	seq.s32 s7, s2  }
0x1e: {  	s7 =	smul.u32 @!p0 $0xF7A, s2;
	p2 =	seq.s32 @!p0 s5, $0x0  }
0x1f: {  	s9 =	smul.u32 $0xF7A, s1;
	s8 =	simm.s32 @!p0 $0x1BF5;
	p2 =	por !p2, p0  }
0x20: {  	[sflag:s8] =	ssyncset.s32 @!p0 $0xFFFFF086;
	s6 =	sadd.s32 @!p0 s3, s7;
	s7 =	simm.s32 @!p0 $0x108  }
0x21: {  	s3 =	sadd.s32 s3, s9;
	s6 =	sadd.s32 @!p0 $0x88, s6;
	s7 =	simm.s32 @p2 $0x1082  }
0x22: {  	[simem:s7], [sflag:s8] =	dma.local @!p0 [hbm:s6], $0xF7A  }
0x23: {  	s9 =	sor.u32 $0xD0000000, s2;
	s6 =	simm.s32 $0x108;
	_ =	swait.ge @!p0 [sflag:s8], $0x0  }
0x24: {  	s3 =	sadd.s32 $0x88, s3;
	s6 =	simm.s32 @!p1 $0x1082;
	[sflag:s4] =	ssyncset.s32 $0xFFFFF086  }
0x25: {  	[simem:s6], [sflag:s4] =	dma.local [hbm:s3], $0xF7A  }
0x26: {  	[smem:$0x3F91] =	sst s1;
	(tag) =	ssettag s2;
	_ =	strace s9  }
0x27: {  	s1 =	sld [smem:$0x3FA1]  }
0x28: {  	s2 =	sld [smem:$0x3FA2]  }
0x29: {  	s4 =	sld [smem:$0x3FA4]  }
0x2a: {  	p0 =	seq.s32 s5, $0x0;
	s5 =	sld [smem:$0x3FA5]  }
0x2b: {  	s6 =	sld [smem:$0x3FA6]  }
0x2c: {  	s7 =	sld [smem:$0x3FA7]  }
0x2d: {  	s3 =	simm.s32 $0x108;
	s8 =	sld [smem:$0x3FA8]  }
0x2e: {  	s3 =	simm.s32 @!p0 $0x1082;
	s9 =	sld [smem:$0x3FA9]  }
0x2f: {  	lr =	sadd.s32 s0, s3;
	s0 =	sld [smem:$0x3FA0]  }
0x30: {  	s3 =	sld [smem:$0x3FA3]  }
0x31: {  	[smem:$0x3FAC] =	sst s10  }
0x32: {  	s10 =	sld [smem:$0x3FAA];
	_ =	sdelay $0x3  }
0x33: {  	p0 =	seq.s32 s10, $0x1;
	s10 =	sld [smem:$0x3FAC];
	_ =	sdelay $0x3  }
0x34: {  	[smem:$0x3FAC] =	sst s10  }
0x35: {  	s10 =	sld [smem:$0x3FAB];
	_ =	sdelay $0x3  }
0x36: {  	p1 =	seq.s32 s10, $0x1;
	s10 =	sld [smem:$0x3FAC];
	_ =	sdelay $0x3  }
0x37: {  	[smem:$0x3FAC] =	sst s10  }
0x38: {  	s10 =	sld [smem:$0x3FAD]  }
0x39: {  	_ = 	snop;
	(pc) =	sbr.ind lr, $3  }
0x3a: {  	_ = 	snop  }
0x3b: {  	_ = 	snop  }
0x3c: {  	p2 =	seq.s32 s10, $0x1;
	s10 =	sld [smem:$0x3FAC]  }
0x3d: {  	_ =	shalt  }
0x3e: {  	_ =	shalt  }
0x3f: {  	_ =	shalt  }
0x40: {  	_ =	shalt  }
0x41: {  	_ =	shalt  }
0x42: {  	_ =	shalt  }
0x43: {  	_ =	shalt  }
0x44: {  	_ =	shalt  }
0x45: {  	_ =	shalt  }
0x46: {  	_ =	shalt  }
0x47: {  	_ =	shalt  }
0x48: {  	_ =	shalt  }
0x49: {  	_ =	shalt  }
0x4a: {  	_ =	shalt  }
0x4b: {  	_ =	shalt  }
0x4c: {  	_ =	shalt  }
0x4d: {  	_ =	shalt  }
0x4e: {  	_ =	shalt  }
0x4f: {  	_ =	shalt  }
0x50: {  	_ =	shalt  }
0x51: {  	_ =	shalt  }
0x52: {  	_ =	shalt  }
0x53: {  	_ =	shalt  }
0x54: {  	_ =	shalt  }
0x55: {  	_ =	shalt  }
0x56: {  	_ =	shalt  }
0x57: {  	_ =	shalt  }
0x58: {  	_ =	shalt  }
0x59: {  	_ =	shalt  }
0x5a: {  	_ =	shalt  }
0x5b: {  	_ =	shalt  }
0x5c: {  	_ =	shalt  }
0x5d: {  	_ =	shalt  }
0x5e: {  	_ =	shalt  }
0x5f: {  	_ =	shalt  }
0x60: {  	_ =	shalt  }
0x61: {  	_ =	shalt  }
0x62: {  	_ =	shalt  }
0x63: {  	_ =	shalt  }
0x64: {  	_ =	shalt  }
0x65: {  	_ =	shalt  }
0x66: {  	_ =	shalt  }
0x67: {  	_ =	shalt  }
0x68: {  	_ =	shalt  }
0x69: {  	_ =	shalt  }
0x6a: {  	_ =	shalt  }
0x6b: {  	_ =	shalt  }
0x6c: {  	_ =	shalt  }
0x6d: {  	_ =	shalt  }
0x6e: {  	_ =	shalt  }
0x6f: {  	_ =	shalt  }
0x70: {  	_ =	shalt  }
0x71: {  	_ =	shalt  }
0x72: {  	_ =	shalt  }
0x73: {  	_ =	shalt  }
0x74: {  	_ =	shalt  }
0x75: {  	_ =	shalt  }
0x76: {  	_ =	shalt  }
0x77: {  	_ =	shalt  }
0x78: {  	_ =	shalt  }
0x79: {  	_ =	shalt  }
0x7a: {  	_ =	shalt  }
0x7b: {  	_ =	shalt  }
0x7c: {  	_ =	shalt  }
0x7d: {  	_ =	shalt  }
0x7e: {  	_ =	shalt  }
0x7f: {  	_ =	shalt  }
0x80: {  	_ =	shalt  }
0x81: {  	_ =	shalt  }
0x82: {  	_ =	shalt  }
0x83: {  	_ =	shalt  }
0x84: {  	_ =	shalt  }
0x85: {  	_ =	shalt  }
0x86: {  	_ =	shalt  }
0x87: {  	_ =	shalt  }
.Lfunc_end0:
.L_simem_size_0:
called_computation_lowered:
.L_overlay_start_0:
0x88: {  	s2 =	sld [smem:$0x3FD9]  }
0x89: {  	s3 =	sld [smem:$0x3FFE];
	_ =	sdelay $0x1  }
0x8a: {  	s1 =	srdreg.scid  }
0x8b: {  	s0 =	sand.u32 $0x1, s1  }
0x8c: {  	s17 =	sshll.u32 s0, $0xA;
	s2 =	sadd.s32 s3, s2  }
0x8d: {  	s2 =	sadd.s32 s2, s17  }
0x8e: {  	[smem:$0x3FB8] =	sst s2  }
0x8f: {  	_ = 	snop  }
0x90: {  	s2 =	sld [smem:$0x3FC9];
	(tm) =	ssettm $0x1  }
0x91: {  	s18 =	sld [smem:$0x3FFB];
	_ =	sdelay $0x3  }
0x92: {  	_ =	strace s18  }
0x93: {  	s3 =	sld [smem:$0x3FFC];
	_ =	sdelay $0x3  }
0x94: {  	_ =	strace s3  }
0x95: {  	s3 =	sld [smem:$0x3FFD];
	_ =	sdelay $0x3  }
0x96: {  	_ =	strace s3  }
0x97: {  	_ =	strace $0x8FFFFFFF  }
0x98: {  	s19 =	sld [smem:$0x3FDB];
	_ =	sdelay $0x1  }
0x99: {  	s4 =	simm.s32 $_scs_section_size  }
0x9a: {  	s5 =	simm.s32 $_size__tile_overlayer_lowered;
	s6 =	simm.s32 $_tile_overlayer_lowered  }
0x9b: {  	s22 =	simm.s32 $0x1BFF;
	s21 =	sshll.u32 s6, $0x1;
	s3 =	sadd.s32 s4, s19  }
0x9c: {  	s7 =	simm.s32 $0x0;
	s20 =	sshll.u32 s5, $0x1;
	s5 =	sadd.s32 s21, s3  }
0x9d: {  	[timem:s7], [sflag:s22] =	dma.local [hbm:s5], s20  }
0x9e: {  	_ =	swait.ge [sflag:s22], s20  }
0x9f: {  	s4 =	ssub.s32 $0x0, s20;
	[sflag:s22] =	ssyncset.done $0x0  }
0xa0: {  	[sflag:s22] =	ssyncadd.s32 s4;
	_ =	sdelay $0x1  }
0xa1: {  	s23 =	simm.s32 $0x1B8B  }
0xa2: {  	_ =	swait.ge [sflag:s23], $0x1  }
0xa3: {  	[sflag:s23] =	ssyncset.done $0x0  }
0xa4: {  	s25 =	simm.s32 $0x1B8E;
	s24 =	sld [smem:$0x3FFE];
	[sflag:s23] =	ssyncadd.s32 $0xFFFFFFFF  }
0xa5: {  	s26 =	simm.s32 $execute0_lowered;
	[smem:$0x3FD2] =	sst s25  }
0xa6: {  	s5 =	sshll.u32 s26, $0x1;
	_ =	strace $0x80000046;
	[dreg:$0x1] =	wrdreg $0xFFFFFFFF  }
0xa7: {  	s28 =	simm.s32 $_size_execute0_lowered;
	s3 =	sadd.s32 s3, s5;
	[dreg:$0x0] =	wrdreg $0x0  }
0xa8: {  	s5 =	sshll.u32 s28, $0x1;
	[dreg:$0x2] =	wrdreg s3  }
0xa9: {  	[dreg:$0x3] =	wrdreg s5  }
0xaa: {  	[dreg:$0x4] =	wrdreg $0xC0  }
0xab: {  	_ =	task [dreg:s7], $0x5FFFF  }
0xac: {  	[dreg:$0x1] =	wrdreg $0xFFFFFFFF  }
0xad: {  	[dreg:$0x0] =	wrdreg $0x60  }
0xae: {  	[dreg:$0x2] =	wrdreg s2  }
0xaf: {  	[dreg:$0x3] =	wrdreg s24  }
0xb0: {  	[dreg:$0x4] =	wrdreg $0x82000  }
0xb1: {  	[dreg:$0x5] =	wrdreg $0x9  }
0xb2: {  	_ =	task.clear_ibuf [dreg:s7], $0x6FFFF;
	_ =	strace $0x90000046  }
0xb3: {  	s29 =	simm.s32 $0x9;
	_ =	strace $0x80000048  }
0xb4: {  	_ =	swait.ge [sflag:s29], $0x1  }
0xb5: {  	[sflag:s29] =	ssyncadd.s32 $0xFFFFFFFF  }
0xb6: {  	_ =	strace $0x90000048  }
0xb7: {  	_ =	sfence  }
0xb8: {  	s30 =	sld [smem:$0x0];
	_ =	sdelay $0x2  }
0xb9: {  	s31 =	sshll.u32 s1, $0xD;
	s1 =	sshrl.u32 s1, $0x2  }
0xba: {  	s3 =	sand.u32 $0x4000, s31;
	s1 =	sadd.s32 s1, s30  }
0xbb: {  	s0 =	sor.u32 s3, s0;
	s1 =	sshll.u32 s1, $0x11  }
0xbc: {  	s0 =	sor.u32 s1, s0  }
0xbd: {  	s0 =	sadd.s32 $0x8F2B, s0  }
0xbe: {  	[sflag:s0] =	ssyncadd.remote.s32 $0x1  }
0xbf: {  	_ =	sfence.sel $0xFFFF  }
0xc0: {  	[dreg:$0x0] =	wrdreg $0xFFFFFFFF;
	(pc) =	sbr.abs _section_cstart, $3  }
0xc1: {  	[dreg:$0x1] =	wrdreg $0xFFFFFFFF  }
0xc2: {  	_ =	task.clear_ibuf [dreg:s7], $0x2FFFF;
	_ =	strace $0x9FFFFFFF  }
0xc3: {  	(tm) =	ssettm $0x7FFFFFFF  }
tec
execute0_lowered:
.L_overlay_start_1:
0x0: {  	(tag) =	ssettag $0x1  }
0x1: {  	s1 =	rddreg [dreg:$0x0]  }
0x2: {  	s0 =	rddreg [dreg:$0x1]  }
0x3: {  	s2 =	rddreg [dreg:$0x2];
	s3 =	simm.s32 $0x0  }
0x4: {  	s12 =	stileid.u32;
	s4 =	srdreg.scid;
	s10 =	simm.s32 $0x4E  }
0x5: {  	s28 =	simm.s32 $0x80;
	s29 =	simm.s32 $0x100;
	s30 =	simm.s32 $0x180  }
0x6: {  	s31 =	simm.s32 $0x1;
	[smem:$0x7FF] =	sst s3;
	s6 =	smul.u32 $0x4E, s12  }
0x7: {  	s5 =	sadd.s32 $0x4400, s0;
	s13 =	sadd.s32 $0x17E00, s0;
	s7 =	smul.u32 $0x50, s12  }
0x8: {  	s4 =	sand.u32 $0x1, s4;
	s15 =	sadd.s32 $0x3F000, s0;
	s8 =	smul.u32 $0x4F000, s12  }
0x9: {  	s16 =	smul.u32 $0x4E000, s12;
	p2 =	seq.s32 s12, $0x0;
	_ =	strace $0x80000047  }
0xa: {  	s20 =	ssub.s32 $0x2, s4;
	p0 =	seq.s32 s4, $0x0;
	[dreg:$0x5] =	wrdreg s15  }
0xb: {  	[dreg:$0x4] =	wrdreg s13;
	p1 =	sne.s32 s4, $0x0;
	s9 =	sshrl.u32 s20, $0x1  }
0xc: {  	s7 =	sadd.s32 $0x4E0, s7;
	s21 =	sshrl.u32 s8, $0x2;
	s10 =	simm.s32 @!p0 $0x50  }
0xd: {  	s7 =	smov.u32 @p0 s6;
	s8 =	sadd.s32 s21, s2;
	s0 =	ssub.s32 s20, s9  }
0xe: {  	s20 =	smul.u32 $0x2700, s12;
	s21 =	sshrl.u32 s16, $0x2;
	s6 =	sadd.s32 $0x4000, s8  }
0xf: {  	p0 =	sne.s32 s12, $0x0;
	s22 =	sadd.s32 $0x8000, s8;
	[dreg:$0x6] =	wrdreg s6  }
0x10: {  	s11 =	ssub.s32 $0x9C4, s7;
	s23 =	sadd.s32 $0xC000, s8;
	[dreg:$0x7] =	wrdreg s22  }
0x11: {  	s24 =	sshll.u32 s7, $0x7;
	s25 =	sadd.s32 $0x10000, s8;
	[dreg:$0x8] =	wrdreg s23  }
0x12: {  	s7 =	sshll.u32 s7, $0x4;
	s9 =	smin.u32 s10, s11;
	[dreg:$0x9] =	wrdreg s25  }
0x13: {  	s26 =	sshrl.u32 s24, $0x3;
	s14 =	sadd.s32 s5, s7;
	s22 =	sadd.s32 s15, s20  }
0x14: {  	s23 =	sadd.s32 $0x138000, s2;
	s25 =	sadd.s32 s13, s20;
	s6 =	simm.s32 $0x3  }
0x15: {  	s7 =	simm.s32 $0x4;
	s20 =	simm.s32 $0x0;
	[dreg:$0xc] =	wrdreg s22  }
0x16: {  	s10 =	sadd.s32 s5, s26;
	s19 =	sadd.s32 $0x10, s14;
	[dreg:$0xd] =	wrdreg s25  }
.Ltmp0:
0x17: {  	s22 =	smax.u32 s0, $0x1;
	s26 =	sshrl.u32 s23, $0x3;
	(pc) =	sbr.rel .LBB2_1-.Ltmp0, $4  }
0x18: {  	s0 =	simm.s32 $0x2;
	s25 =	simm.s32 $0x4200;
	s18 =	sadd.s32 $0x9C40, s10  }
0x19: {  	[dreg:$0xb] =	wrdreg s19;
	s17 =	sadd.s32 $0x9C50, s10;
	s19 =	sadd.s32 s21, s2  }
0x1a: {  	s10 =	sadd.s32 $0x4E380, s24;
	s24 =	simm.s32 $0x200;
	[dreg:$0xe] =	wrdreg s26  }
0x1b: {  	v0 =	vimm.f32 $0.0e+00;
	s26 =	simm.s32 $0x5;
	[dreg:$0xa] =	wrdreg s18;
	s18 =	sshrl.u32 s9, $0x1  }
.LBB2_8:
0x1c: {  	s11 =	sadd.s32 $0x27000, s11;
	s12 =	rddreg [dreg:$0xe]  }
0x1d: {  	[hbm:s11], [sflag:s4] =	dma.local [spmem:s12], $0x100  }
0x1e: {  	_ =	swait.ge [sflag:s26], $0x100  }
0x1f: {  	[sflag:s26] =	ssyncset.done $0x0  }
0x20: {  	[sflag:s26] =	ssyncadd.s32 $0xFFFFFF00  }
.LBB2_9:
0x21: {  	s20 =	sadd.s32 $0x1, s20  }
0x22: {  	p3 =	sne.s32 s20, s22  }
.Ltmp1:
0x23: {  	_ = 	snop;
	(pc) =	sbr.rel @!p3 .LBB2_10-.Ltmp1, $1  }
0x24: {  	_ =	sdelay $0x3  }
.LBB2_1:
0x25: {  	s4 =	simm.s32 $0x0;
	s11 =	simm.s32 $0x200  }
.LBB2_2:
0x26: {  	p3 =	sne.s32 s11, $0xFE00;
	[tilespmem:s4+$0x270] =	vst v0  }
0x27: {  	[tilespmem:s4+$0x200] =	vst v0  }
0x28: {  	[tilespmem:s4+$0x210] =	vst v0  }
.Ltmp2:
0x29: {  	[tilespmem:s4+$0x220] =	vst v0;
	(pc) =	sbr.rel @p3 .LBB2_2-.Ltmp2, $4  }
0x2a: {  	[tilespmem:s4+$0x230] =	vst v0  }
0x2b: {  	[tilespmem:s4+$0x240] =	vst v0  }
0x2c: {  	[tilespmem:s4+$0x250] =	vst v0  }
0x2d: {  	[tilespmem:s4+$0x260] =	vst v0;
	s4 =	sshra.s32 s11, $0x2;
	s11 =	sadd.s32 $0x200, s11  }
0x2e: {  	[tilespmem:s4+$0x270] =	vst v0  }
0x2f: {  	[tilespmem:s4+$0x200] =	vst v0  }
0x30: {  	[tilespmem:s4+$0x210] =	vst v0  }
0x31: {  	[tilespmem:s4+$0x220] =	vst v0  }
0x32: {  	[tilespmem:s4+$0x230] =	vst v0  }
0x33: {  	[tilespmem:s4+$0x240] =	vst v0  }
0x34: {  	[tilespmem:s4+$0x250] =	vst v0  }
0x35: {  	[tilespmem:s4+$0x260] =	vst v0  }
0x36: {  	[spmem:s8] =	stream.linear.scatter [tilespmem:s24], [sflag:$0x5], $0x4000, $0x38;
	[tilespmem:$0x1BE00] =	vst v63  }
0x37: {  	_ =	swait.ge [sflag:s26], $0x4000  }
0x38: {  	[sflag:s26] =	ssyncset.done $0x0  }
0x39: {  	s12 =	rddreg [dreg:$0x6];
	[sflag:s26] =	ssyncadd.s32 $0xFFFFC000  }
0x3a: {  	[spmem:s12] =	stream.linear.scatter [tilespmem:s24], [sflag:$0x5], $0x4000, $0x38;
	[tilespmem:$0x1BE00] =	vst v63  }
0x3b: {  	_ =	swait.ge [sflag:s26], $0x4000  }
0x3c: {  	[sflag:s26] =	ssyncset.done $0x0  }
0x3d: {  	s13 =	rddreg [dreg:$0x7];
	[sflag:s26] =	ssyncadd.s32 $0xFFFFC000  }
0x3e: {  	[spmem:s13] =	stream.linear.scatter [tilespmem:s24], [sflag:$0x5], $0x4000, $0x38;
	[tilespmem:$0x1BE00] =	vst v63  }
0x3f: {  	_ =	swait.ge [sflag:s26], $0x4000  }
0x40: {  	[sflag:s26] =	ssyncset.done $0x0  }
0x41: {  	s15 =	rddreg [dreg:$0x8];
	[sflag:s26] =	ssyncadd.s32 $0xFFFFC000  }
0x42: {  	[spmem:s15] =	stream.linear.scatter [tilespmem:s24], [sflag:$0x5], $0x4000, $0x38;
	[tilespmem:$0x1BE00] =	vst v63  }
0x43: {  	_ =	swait.ge [sflag:s26], $0x4000  }
0x44: {  	[sflag:s26] =	ssyncset.done $0x0  }
0x45: {  	s16 =	rddreg [dreg:$0x9];
	[sflag:s26] =	ssyncadd.s32 $0xFFFFC000  }
0x46: {  	[spmem:s16] =	stream.linear.scatter [tilespmem:s24], [sflag:$0x5], $0x3C00, $0x38;
	[tilespmem:$0x1BE00] =	vst v63  }
0x47: {  	_ =	swait.ge [sflag:s26], $0x3C00  }
0x48: {  	[sflag:s26] =	ssyncset.done $0x0  }
0x49: {  	[sflag:s26] =	ssyncadd.s32 $0xFFFFC400  }
0x4a: {  	[bflag:$0x0] =	sbarrier.arrive $0xFFFF  }
0x4b: {  	[tilespmem:s3], [sflag:$0x1] =	stream.linear.gather [hbm4b:s14+s3], $0x80, $0x38;
	[tilespmem:$0x1BE00] =	vst v63  }
0x4c: {  	s21 =	rddreg [dreg:$0xa]  }
0x4d: {  	[tilespmem:s28], [sflag:$0x1] =	stream.linear.gather [hbm4b:s21+s3], $0x80, $0x38;
	[tilespmem:$0x1BE00] =	vst v63  }
0x4e: {  	s23 =	rddreg [dreg:$0xb]  }
0x4f: {  	[tilespmem:s29], [sflag:$0x2] =	stream.linear.gather [hbm4b:s23+s3], $0x80, $0x38;
	[tilespmem:$0x1BE00] =	vst v63  }
0x50: {  	_ = 	snop  }
0x51: {  	[tilespmem:s30], [sflag:$0x2] =	stream.linear.gather [hbm4b:s17+s3], $0x80, $0x38;
	[tilespmem:$0x1BE00] =	vst v63  }
0x52: {  	_ =	swait.ge [sflag:s31], $0x80  }
0x53: {  	[sflag:s31] =	ssyncset.done $0x0  }
0x54: {  	[sflag:s31] =	ssyncadd.s32 $0xFFFFFF80  }
0x55: {  	_ =	swait.ge [sflag:s31], $0x80  }
0x56: {  	[sflag:s31] =	ssyncset.done $0x0  }
0x57: {  	[sflag:s31] =	ssyncadd.s32 $0xFFFFFF80  }
0x58: {  	[tilespmem:s24], [sflag:$0x3] =	stream.indirect.gather [hbm4b:s1+s28], $0x80, s3, s28, $0xb8;
	[tilespmem:$0x1BE00] =	vst v63  }
0x59: {  	_ =	swait.ge [sflag:s0], $0x80  }
0x5a: {  	[sflag:s0] =	ssyncset.done $0x0  }
0x5b: {  	[sflag:s0] =	ssyncadd.s32 $0xFFFFFF80  }
0x5c: {  	_ =	swait.ge [sflag:s0], $0x80  }
0x5d: {  	[sflag:s0] =	ssyncset.done $0x0  }
0x5e: {  	[sflag:s0] =	ssyncadd.s32 $0xFFFFFF80  }
0x5f: {  	[tilespmem:s25], [sflag:$0x4] =	stream.indirect.gather [hbm4b:s1+s28], $0x80, s29, s28, $0xb8;
	[tilespmem:$0x1BE00] =	vst v63  }
0x60: {  	_ =	swait.ge [sflag:s6], $0x4000  }
0x61: {  	[sflag:s6] =	ssyncset.done $0x0  }
0x62: {  	p3 =	sle.u32 s9, $0x2;
	[sflag:s6] =	ssyncadd.s32 $0xFFFFC000  }
0x63: {  	[spmem:s2] =	stream.indirect.scatter.add.f32 [tilespmem:s24], [sflag:$0x5], $0x80, s28, s28, $0xb8;
	[tilespmem:$0x1BE00] =	vst v63  }
0x64: {  	s4 =	sadd.s32 @!p3 $0xFFFB1D80, s10;
	s11 =	sadd.s32 @!p3 $0xFFFFFF80, s10;
	_ =	swait.ge [sflag:s26], $0x4000  }
0x65: {  	s4 =	sshrl.u32 @!p3 s4, $0x3;
	s11 =	sshrl.u32 @!p3 s11, $0x3;
	[sflag:s26] =	ssyncset.done $0x0  }
0x66: {  	s4 =	sadd.s32 @!p3 s5, s4;
	s12 =	simm.s32 @!p3 $0x0;
	[sflag:s26] =	ssyncadd.s32 $0xFFFFC000  }
0x67: {  	[tilespmem:s12], [sflag:$0x1] =	stream.linear.gather @!p3 [hbm4b:s4+s12], $0x80, $0x38;
	[tilespmem:$0x1BE00] =	vst v63  }
0x68: {  	s4 =	sadd.s32 @!p3 s5, s11;
	s11 =	simm.s32 @!p3 $0x80  }
0x69: {  	[tilespmem:s11], [sflag:$0x1] =	stream.linear.gather @!p3 [hbm4b:s4+s12], $0x80, $0x38;
	[tilespmem:$0x1BE00] =	vst v63  }
0x6a: {  	_ =	swait.ge [sflag:s7], $0x4000  }
0x6b: {  	p4 =	sle.u32 s9, $0x3;
	s21 =	sadd.s32 $0xFFFFFFFF, s18;
	[sflag:s7] =	ssyncset.done $0x0  }
0x6c: {  	s13 =	sshrl.u32 @!p4 s10, $0x3;
	p3 =	sne.s32 s21, $0x0;
	[sflag:s7] =	ssyncadd.s32 $0xFFFFC000  }
0x6d: {  	[spmem:s2] =	stream.indirect.scatter.add.f32 [tilespmem:s25], [sflag:$0x5], $0x80, s30, s28, $0xb8;
	[tilespmem:$0x1BE00] =	vst v63  }
.Ltmp3:
0x6e: {  	s4 =	sadd.s32 @!p4 $0xFFFB1E00, s10;
	_ =	swait.ge [sflag:s26], $0x4000;
	(pc) =	sbr.rel @!p3 .LBB2_5-.Ltmp3, $4  }
0x6f: {  	s11 =	simm.s32 @!p4 $0x0;
	s4 =	sshrl.u32 @!p4 s4, $0x3;
	[sflag:s26] =	ssyncset.done $0x0  }
0x70: {  	s12 =	simm.s32 @!p4 $0x100;
	s4 =	sadd.s32 @!p4 s5, s4;
	[sflag:s26] =	ssyncadd.s32 $0xFFFFC000  }
0x71: {  	[tilespmem:s12], [sflag:$0x2] =	stream.linear.gather @!p4 [hbm4b:s4+s11], $0x80, $0x38;
	[tilespmem:$0x1BE00] =	vst v63  }
0x72: {  	s23 =	smov.u32 s10;
	s4 =	simm.s32 $0x4;
	s12 =	simm.s32 @!p4 $0x180  }
.LBB2_4:
0x73: {  	s21 =	sadd.s32 $0xFFFFFFFF, s21;
	s13 =	sadd.s32 @!p4 s5, s13;
	s23 =	sadd.s32 $0x100, s23  }
0x74: {  	[tilespmem:s12], [sflag:$0x2] =	stream.linear.gather @!p4 [hbm4b:s13+s11], $0x80, $0x38;
	[tilespmem:$0x1BE00] =	vst v63  }
0x75: {  	p3 =	sne.s32 s21, $0x0;
	_ =	swait.ge [sflag:s31], $0x80  }
0x76: {  	[sflag:s31] =	ssyncset.done $0x0  }
0x77: {  	[sflag:s31] =	ssyncadd.s32 $0xFFFFFF80  }
0x78: {  	_ =	swait.ge [sflag:s31], $0x80  }
0x79: {  	[sflag:s31] =	ssyncset.done $0x0  }
0x7a: {  	[sflag:s31] =	ssyncadd.s32 $0xFFFFFF80  }
0x7b: {  	[tilespmem:s24], [sflag:$0x3] =	stream.indirect.gather [hbm4b:s1+s28], $0x80, s3, s28, $0xb8;
	[tilespmem:$0x1BE00] =	vst v63  }
0x7c: {  	_ =	swait.ge [sflag:s0], $0x80  }
0x7d: {  	[sflag:s0] =	ssyncset.done $0x0  }
0x7e: {  	[sflag:s0] =	ssyncadd.s32 $0xFFFFFF80  }
0x7f: {  	_ =	swait.ge [sflag:s0], $0x80  }
0x80: {  	[sflag:s0] =	ssyncset.done $0x0  }
0x81: {  	[sflag:s0] =	ssyncadd.s32 $0xFFFFFF80  }
0x82: {  	[tilespmem:s25], [sflag:$0x4] =	stream.indirect.gather [hbm4b:s1+s28], $0x80, s29, s28, $0xb8;
	[tilespmem:$0x1BE00] =	vst v63  }
0x83: {  	_ =	swait.ge [sflag:s6], $0x4000  }
0x84: {  	[sflag:s6] =	ssyncset.done $0x0  }
0x85: {  	p4 =	sge.u32 s4, s9;
	[sflag:s6] =	ssyncadd.s32 $0xFFFFC000  }
0x86: {  	[spmem:s2] =	stream.indirect.scatter.add.f32 [tilespmem:s24], [sflag:$0x5], $0x80, s28, s28, $0xb8;
	[tilespmem:$0x1BE00] =	vst v63  }
0x87: {  	s11 =	sadd.s32 @!p4 $0xFFFB1D80, s23;
	s12 =	sadd.s32 @!p4 $0xFFFFFF80, s23;
	_ =	swait.ge [sflag:s26], $0x4000  }
0x88: {  	s11 =	sshrl.u32 @!p4 s11, $0x3;
	s12 =	sshrl.u32 @!p4 s12, $0x3;
	[sflag:s26] =	ssyncset.done $0x0  }
0x89: {  	s13 =	simm.s32 @!p4 $0x0;
	s11 =	sadd.s32 @!p4 s5, s11;
	[sflag:s26] =	ssyncadd.s32 $0xFFFFC000  }
0x8a: {  	[tilespmem:s13], [sflag:$0x1] =	stream.linear.gather @!p4 [hbm4b:s11+s13], $0x80, $0x38;
	[tilespmem:$0x1BE00] =	vst v63  }
0x8b: {  	s11 =	sadd.s32 @!p4 s5, s12;
	s12 =	simm.s32 @!p4 $0x80  }
0x8c: {  	[tilespmem:s12], [sflag:$0x1] =	stream.linear.gather @!p4 [hbm4b:s11+s13], $0x80, $0x38;
	[tilespmem:$0x1BE00] =	vst v63  }
0x8d: {  	_ =	swait.ge [sflag:s7], $0x4000  }
0x8e: {  	[sflag:s7] =	ssyncset.done $0x0  }
0x8f: {  	s11 =	sadd.s32 $0x1, s4;
	s4 =	sadd.s32 $0x2, s4;
	[sflag:s7] =	ssyncadd.s32 $0xFFFFC000  }
0x90: {  	[spmem:s2] =	stream.indirect.scatter.add.f32 [tilespmem:s25], [sflag:$0x5], $0x80, s30, s28, $0xb8;
	[tilespmem:$0x1BE00] =	vst v63  }
.Ltmp4:
0x91: {  	p4 =	sge.u32 s11, s9;
	_ =	swait.ge [sflag:s26], $0x4000;
	(pc) =	sbr.rel @p3 .LBB2_4-.Ltmp4, $4  }
0x92: {  	s12 =	sadd.s32 @!p4 $0xFFFB1E00, s23;
	s11 =	simm.s32 @!p4 $0x0;
	[sflag:s26] =	ssyncset.done $0x0  }
0x93: {  	s15 =	simm.s32 @!p4 $0x100;
	s12 =	sshrl.u32 @!p4 s12, $0x3;
	[sflag:s26] =	ssyncadd.s32 $0xFFFFC000  }
0x94: {  	s13 =	sshrl.u32 @!p4 s23, $0x3;
	s16 =	sadd.s32 @!p4 s5, s12;
	s12 =	simm.s32 @!p4 $0x180  }
0x95: {  	[tilespmem:s15], [sflag:$0x2] =	stream.linear.gather @!p4 [hbm4b:s16+s11], $0x80, $0x38;
	[tilespmem:$0x1BE00] =	vst v63  }
.LBB2_5:
.Ltmp5:
0x96: {  	(pc) =	sbr.rel @p1 .LBB2_7-.Ltmp5, $4  }
0x97: {  	s4 =	sadd.s32 @!p4 s5, s13;
	s23 =	stileid.u32  }
0x98: {  	[tilespmem:s12], [sflag:$0x2] =	stream.linear.gather @!p4 [hbm4b:s4+s11], $0x80, $0x38;
	[tilespmem:$0x1BE00] =	vst v63  }
0x99: {  	s12 =	sshll.u32 s23, $0x6;
	[bflag:$0x0] =	sbarrier.arrive $0xFFFF  }
0x9a: {  	s11 =	sshrl.u32 s19, $0x3;
	s4 =	sor.u32 $0x1C05, s12  }
0x9b: {  	s4 =	sor.u32 $0x1C05, s12;
	s23 =	rddreg [dreg:$0xd]  }
0x9c: {  	[hbm:s23], [sflag:s4] =	dma.local [spmem:s11], $0x2700  }
.Ltmp6:
0x9d: {  	_ = 	snop;
	(pc) =	sbr.rel @!p2 .LBB2_9-.Ltmp6, $4  }
.Ltmp7:
0x9e: {  	_ = 	snop;
	(pc) =	sbr.rel @p2 .LBB2_8-.Ltmp7, $4  }
0x9f: {  	_ =	swait.ge [sflag:s26], $0x2700  }
0xa0: {  	[sflag:s26] =	ssyncset.done $0x0  }
0xa1: {  	s11 =	rddreg [dreg:$0x4];
	[sflag:s26] =	ssyncadd.s32 $0xFFFFD900  }
0xa2: {  	_ = 	snop  }
.LBB2_7:
0xa3: {  	s12 =	rddreg [dreg:$0xc]  }
0xa4: {  	[hbm:s12], [sflag:s4] =	dma.local [spmem:s11], $0x2700  }
.Ltmp8:
0xa5: {  	_ = 	snop;
	(pc) =	sbr.rel @p0 .LBB2_9-.Ltmp8, $4  }
.Ltmp9:
0xa6: {  	_ = 	snop;
	(pc) =	sbr.rel @!p0 .LBB2_8-.Ltmp9, $4  }
0xa7: {  	_ =	swait.ge [sflag:s26], $0x2700  }
0xa8: {  	[sflag:s26] =	ssyncset.done $0x0  }
0xa9: {  	s11 =	rddreg [dreg:$0x5];
	[sflag:s26] =	ssyncadd.s32 $0xFFFFD900  }
0xaa: {  	_ = 	snop  }
.LBB2_10:
0xab: {  	_ =	sfence.sel $0x180000  }
0xac: {  	[bflag:$0x0] =	sbarrier.arrive $0xFFFF  }
0xad: {  	_ =	strace $0x90000047  }
0xae: {  	[bflag:$0x2] =	sbarrier.arrive $0xFFFF  }
0xaf: {  	s0 =	rddreg [dreg:$0x3]  }
0xb0: {  	s0 =	sadd.s32 @!p0 $0x100000, s0  }
0xb1: {  	[sflag:s0] =	ssyncadd.tile.s32 @!p0 $0x1;
	_ =	shalt  }
.Lfunc_end2:
_tile_overlayer_lowered:
.L_overlay_start_2:
0xb2: {  	(tag) =	ssettag $0x2  }
0xb3: {  	s0 =	rddreg [dreg:$0x0];
	s2 =	stileid.u32  }
0xb4: {  	s1 =	rddreg [dreg:$0x1];
	p0 =	sne.s32 s2, $0x0  }
0xb5: {  	s3 =	rddreg [dreg:$0x2];
	[bflag:$0x3] =	sbarrier.arrive $0xFFFF;
	s2 =	simm.s32 @!p0 $0x1C05  }
0xb6: {  	[timem:s3], [sflag:s2] =	dma.local @!p0 [hbm:s0], s1  }
0xb7: {  	s0 =	simm.s32 @!p0 $0x5  }
0xb8: {  	_ =	swait.ge @!p0 [sflag:s0], s1  }
0xb9: {  	s1 =	ssub.s32 @!p0 $0x0, s1;
	[sflag:s0] =	ssyncset.done @!p0 $0x0  }
0xba: {  	[sflag:s0] =	ssyncadd.s32 @!p0 s1  }
0xbb: {  	[bflag:$0x3] =	sbarrier.arrive $0xFFFF  }
0xbc: {  	_ =	shalt  }

</sc_bundles>
